<compile_context>
chip_gen: v7x
topology: tpu7x:2x2x1
jax: 0.10.2.dev20260603
libtpu: 0.0.44.dev20260713+nightly
codegen_flags: <defaults>
</compile_context>

<pallas_src>
import functools

import jax
import jax.numpy as jnp
from jax import lax
from jax.experimental import pallas as pl
from jax.experimental.pallas import tpu as pltpu
from jax.experimental.pallas import tpu_sc as plsc

_N = 10000
_D = 128
_NT = 16
_NG = 128
_NC = 2
_NS = 16
_NW = _NC * _NS
_CH = 128
_RPT = 640
_ACC = _RPT * _NS
_RPW = _N // _NS

_HIGH = lax.Precision.HIGHEST

def _mesh():
    return plsc.VectorSubcoreMesh(
        core_axis_name="c", subcore_axis_name="s",
        num_cores=_NC, num_subcores=_NS)


def _gather_scatter_body(nchunk, width, table_hbm, src_hbm, dst_hbm, zeros_hbm,
                         out_hbm, src_v, dst_v, rows_v, acc_sh, sem):
    c = lax.axis_index("c")
    s = lax.axis_index("s")
    wid = s * _NC + c
    pltpu.sync_copy(src_hbm.at[wid], src_v)
    pltpu.sync_copy(dst_hbm.at[wid], dst_v)
    pltpu.sync_copy(zeros_hbm, acc_sh.at[pl.ds(s * _RPT, _RPT)])
    plsc.subcore_barrier()

    def body(i, carry):
        pltpu.async_copy(table_hbm.at[src_v.at[i]], rows_v, sem).wait()
        pltpu.sync_copy(rows_v, acc_sh.at[dst_v.at[i]], add=True)
        return carry

    lax.fori_loop(0, nchunk, body, 0)
    plsc.subcore_barrier()
    pltpu.sync_copy(acc_sh.at[pl.ds(s * _RPT, _RPT)],
                    out_hbm.at[c, pl.ds(s * _RPT, _RPT)])


def _make_gs_kernel(nchunk, width):
    return pl.kernel(
        functools.partial(_gather_scatter_body, nchunk, width),
        out_type=jax.ShapeDtypeStruct((_NC, _ACC, width), jnp.float32),
        mesh=_mesh(),
        scratch_types=[
            pltpu.VMEM((nchunk, _CH), jnp.int32),
            pltpu.VMEM((nchunk, _CH), jnp.int32),
            pltpu.VMEM((_CH, width), jnp.float32),
            pltpu.VMEM_SHARED((_ACC, width), jnp.float32),
            pltpu.SemaphoreType.DMA,
        ],
    )


def _stage_body(nchain, relu, S_ref, hist_ref, h_ref, g_ref, *rest):
    chain = rest[:nchain]
    W_ref, Wl_ref, lr_ref, o_ref = rest[nchain:]
    g = g_ref[...]
    for Wr in chain:
        g = lax.dot(g, Wr[...], precision=_HIGH)
    R = jnp.concatenate([g, -g], axis=0)
    S = S_ref[0] + S_ref[1]
    hist = hist_ref[0][:, :_NT] + hist_ref[1][:, :_NT]
    deg = jnp.maximum(jnp.sum(hist, axis=1, keepdims=True), 1.0)
    pre = S - lax.dot(hist, R, precision=_HIGH)
    agg = lax.dot(pre, W_ref[...], precision=_HIGH) / deg
    loop = lax.dot(h_ref[...] - lr_ref[...], Wl_ref[...], precision=_HIGH)
    out = agg + loop
    o_ref[...] = jnp.maximum(out, 0.0) if relu else out


def _make_stage(nchain, relu, blk):
    ngrid = _N // blk
    full = lambda shape: pl.BlockSpec(shape, lambda i: (0,) * len(shape))
    in_specs = [
        pl.BlockSpec((_NC, blk, _D), lambda i: (0, i, 0)),
        pl.BlockSpec((_NC, blk, _D), lambda i: (0, i, 0)),
        pl.BlockSpec((blk, _D), lambda i: (i, 0)),
        full((8, _D)),
    ]
    in_specs += [full((_D, _D))] * nchain
    in_specs += [full((_D, _D)), full((_D, _D)), full((1, _D))]
    return pl.pallas_call(
        functools.partial(_stage_body, nchain, relu),
        grid=(ngrid,),
        in_specs=in_specs,
        out_specs=pl.BlockSpec((blk, _D), lambda i: (i, 0)),
        out_shape=jax.ShapeDtypeStruct((_N, _D), jnp.float32),
    )


def _pool_body(blk, h_ref, b_ref, rl_ref, rt_ref, lw_ref, lb_ref, o_ref,
               ps_ref, cnt_ref):
    i = pl.program_id(0)

    @pl.when(i == 0)
    def _init():
        ps_ref[...] = jnp.zeros_like(ps_ref)
        cnt_ref[...] = jnp.zeros_like(cnt_ref)

    b = b_ref[0]
    onehot = (jnp.broadcast_to(b, (_NG, blk)) ==
              lax.broadcasted_iota(jnp.int32, (_NG, blk), 0)).astype(jnp.float32)
    ps_ref[...] += lax.dot(onehot, h_ref[...], precision=_HIGH)
    cnt_ref[:, 0:1] += jnp.sum(onehot, axis=1, keepdims=True)

    @pl.when(i == pl.num_programs(0) - 1)
    def _fin():
        cnt = jnp.maximum(cnt_ref[:, 0:1], 1.0)
        pooled = ps_ref[...] / cnt
        rl = rl_ref[...]
        oh16 = (jnp.broadcast_to(rl, (_NT, _NG)) ==
                lax.broadcasted_iota(jnp.int32, (_NT, _NG), 0)).astype(jnp.float32)
        relemb = lax.dot_general(oh16, rt_ref[...],
                                 (((0,), (0,)), ((), ())), precision=_HIGH)
        z = (lax.dot(pooled, lw_ref[0:_D, :], precision=_HIGH) +
             lax.dot(relemb, lw_ref[_D:2 * _D, :], precision=_HIGH))
        o_ref[...] = z + lb_ref[...]


def _make_pool(blk):
    ngrid = _N // blk
    full = lambda shape: pl.BlockSpec(shape, lambda i: (0,) * len(shape))
    return pl.pallas_call(
        functools.partial(_pool_body, blk),
        grid=(ngrid,),
        in_specs=[
            pl.BlockSpec((blk, _D), lambda i: (i, 0)),
            pl.BlockSpec((1, 1, blk), lambda i: (i, 0, 0)),
            full((1, _NG)),
            full((_NT, _D)),
            full((2 * _D, _NG)),
            full((1, _NG)),
        ],
        out_specs=full((_NG, _NG)),
        out_shape=jax.ShapeDtypeStruct((_NG, _NG), jnp.float32),
        scratch_shapes=[
            pltpu.VMEM((_NG, _D), jnp.float32),
            pltpu.VMEM((_NG, 8), jnp.float32),
        ],
    )


_BLK = 2000


def kernel(x, edge_index, edge_type, batch, rel_labels, drop_prob, rel_table,
           rel_graph_emb, W1, W1_loop, W1_rel, loop_rel1,
           W2, W2_loop, W2_rel, loop_rel2,
           W3, W3_loop, W3_rel, loop_rel3, lin_W, lin_b):
    E = edge_index.shape[1]
    nchunk = -(-E // (_NW * _CH))
    epad = nchunk * _NW * _CH
    pad = epad - E
    src = jnp.concatenate([edge_index[0], jnp.zeros((pad,), jnp.int32)])
    dst = jnp.concatenate([edge_index[1], jnp.full((pad,), _N, jnp.int32)])
    et = jnp.concatenate([edge_type, jnp.zeros((pad,), jnp.int32)])
    src3 = src.reshape(_NW, nchunk, _CH)
    dst3 = dst.reshape(_NW, nchunk, _CH)
    et3 = et.reshape(_NW, nchunk, _CH)

    eye_pad = jnp.pad(jnp.eye(_NT, dtype=jnp.float32),
                      ((0, 0), (0, _D - _NT)))
    zeros_d = jnp.zeros((_RPT, _D), jnp.float32)

    gs_d = _make_gs_kernel(nchunk, _D)

    hist = gs_d(eye_pad, et3, dst3, zeros_d)
    S1 = gs_d(x, src3, dst3, zeros_d)

    st1 = _make_stage(0, True, _BLK)
    st2 = _make_stage(1, True, _BLK)
    st3 = _make_stage(2, False, _BLK)

    lr1 = loop_rel1.reshape(1, _D)
    lr2 = loop_rel2.reshape(1, _D)
    lr3 = loop_rel3.reshape(1, _D)

    h1 = st1(S1, hist, x, rel_graph_emb, W1, W1_loop, lr1)
    S2 = gs_d(h1, src3, dst3, zeros_d)
    h2 = st2(S2, hist, h1, rel_graph_emb, W1_rel, W2, W2_loop, lr2)
    S3 = gs_d(h2, src3, dst3, zeros_d)
    h3 = st3(S3, hist, h2, rel_graph_emb, W1_rel, W2_rel, W3, W3_loop, lr3)

    batch3 = batch.reshape(_N // _BLK, 1, _BLK)
    rl2 = rel_labels.reshape(1, _NG)
    lwp = jnp.pad(lin_W, ((0, 0), (0, _NG - lin_W.shape[1])))
    lbp = jnp.pad(lin_b, (0, _NG - lin_b.shape[0])).reshape(1, _NG)

    z = _make_pool(_BLK)(h3, batch3, rl2, rel_table, lwp, lbp)
    return z[:, :lin_W.shape[1]]

# --- scband reference (transcript-rebuilt; emitter-appended) ---
"""Pipeline reference for scband-comp-gcn-25898652794883 (READ-ONLY COPY).

The authoritative reference and input builder live on the scoring server;
editing this copy changes nothing except your own understanding.
"""

import jax, jax.numpy as jnp
import numpy as np

N = 10000
E = 320000
D = 128
NUM_REL = 16
NUM_RG = 8
NUM_GRAPHS = 128
NUM_CLASSES = 2


def setup_inputs(seed: int = 0) -> dict:
    key = jax.random.key(seed)
    ks = jax.random.split(key, 32)
    inp = {}
    inp["x"] = jax.random.normal(ks[0], (N, D), dtype=jnp.float32)
    inp["edge_index"] = jax.random.randint(ks[1], (2, E), 0, N, dtype=jnp.int32)
    inp["edge_type"] = jax.random.randint(ks[2], (E,), 0, 2 * NUM_RG, dtype=jnp.int32)
    inp["batch"] = jnp.sort(jax.random.randint(ks[3], (N,), 0, NUM_GRAPHS, dtype=jnp.int32))
    inp["rel_labels"] = jax.random.randint(ks[4], (NUM_GRAPHS,), 0, NUM_REL, dtype=jnp.int32)
    inp["drop_prob"] = 0
    s = 0.05
    inp["rel_table"] = jax.random.normal(ks[5], (NUM_REL, D), dtype=jnp.float32) * s
    inp["rel_graph_emb"] = jax.random.normal(ks[6], (NUM_RG, D), dtype=jnp.float32) * s
    k = 7
    for i in (1, 2, 3):
        inp["W%d" % i] = jax.random.normal(ks[k], (D, D), dtype=jnp.float32) * s; k += 1
        inp["W%d_loop" % i] = jax.random.normal(ks[k], (D, D), dtype=jnp.float32) * s; k += 1
        inp["W%d_rel" % i] = jax.random.normal(ks[k], (D, D), dtype=jnp.float32) * s; k += 1
        inp["loop_rel%d" % i] = jax.random.normal(ks[k], (D,), dtype=jnp.float32) * s; k += 1
    inp["lin_W"] = jax.random.normal(ks[k], (2 * D, NUM_CLASSES), dtype=jnp.float32) * s; k += 1
    inp["lin_b"] = jnp.zeros((NUM_CLASSES,), dtype=jnp.float32)
    return inp


def _conv(x, src, dst, edge_type, rel, W, W_loop, W_rel, loop_rel):
    # CompGCN conv with 'sub' composition: msg = x_src - rel[edge_type]
    msg = (x[src] - rel[edge_type]) @ W
    deg = jax.ops.segment_sum(jnp.ones((src.shape[0],), jnp.float32), dst, num_segments=N)
    agg = jax.ops.segment_sum(msg, dst, num_segments=N) / jnp.maximum(deg, 1.0)[:, None]
    loop = (x - loop_rel[None, :]) @ W_loop
    return agg + loop, rel @ W_rel


def reference(x, edge_index, edge_type, batch, rel_labels, drop_prob, rel_table, rel_graph_emb,
              W1, W1_loop, W1_rel, loop_rel1,
              W2, W2_loop, W2_rel, loop_rel2,
              W3, W3_loop, W3_rel, loop_rel3,
              lin_W, lin_b):
    src, dst = edge_index[0], edge_index[1]
    # r = cat([rel_graph_emb, -rel_graph_emb]) -> covers forward + inverse relations
    r = jnp.concatenate([rel_graph_emb, -rel_graph_emb], axis=0)
    h, r = _conv(x, src, dst, edge_type, r, W1, W1_loop, W1_rel, loop_rel1)
    h = jax.nn.relu(h)
    h, r = _conv(h, src, dst, edge_type, r, W2, W2_loop, W2_rel, loop_rel2)
    h = jax.nn.relu(h)
    h, _ = _conv(h, src, dst, edge_type, r, W3, W3_loop, W3_rel, loop_rel3)
    # global_mean_pool over batch assignment
    cnt = jax.ops.segment_sum(jnp.ones((N,), jnp.float32), batch, num_segments=NUM_GRAPHS)
    pooled = jax.ops.segment_sum(h, batch, num_segments=NUM_GRAPHS) / jnp.maximum(cnt, 1.0)[:, None]
    rel_embs = rel_table[rel_labels]
    z = jnp.concatenate([pooled, rel_embs], axis=1)
    # dropout with drop_prob=0 in eval -> identity
    return z @ lin_W + lin_b

if __name__ == "__main__":
    import jax
    _d = setup_inputs()
    print(jax.jit(kernel)(*tuple(_d.values())))

</pallas_src>

<mosaic_0001>
#map = affine_map<(d0, d1) -> (0, 0)>
#map1 = affine_map<(d0, d1) -> (0, 0, 0)>
module attributes {stable_mosaic.version = 14 : i64} {
  func.func @_gather_scatter_body(%arg0: i32, %arg1: i32, %arg2: memref<16x128xf32, #tpu.memory_space<hbm>>, %arg3: memref<32x79x128xi32, #tpu.memory_space<hbm>>, %arg4: memref<32x79x128xi32, #tpu.memory_space<hbm>>, %arg5: memref<640x128xf32, #tpu.memory_space<hbm>>, %arg6: memref<2x10240x128xf32, #tpu.memory_space<hbm>>, %arg7: memref<79x128xi32, #tpu.memory_space<vmem>>, %arg8: memref<79x128xi32, #tpu.memory_space<vmem>>, %arg9: memref<128x128xf32, #tpu.memory_space<vmem>>, %arg10: memref<10240x128xf32, #tpu.memory_space<vmem_shared>>, %arg11: memref<!tpu.dma_semaphore, #tpu.memory_space<semaphore_mem>>) attributes {dimension_semantics = [#tpu.dimension_semantics<core_parallel>, #tpu.dimension_semantics<subcore_parallel>], iteration_bounds = array<i64: 2, 16>, scalar_prefetch = 0 : i64, scratch_operands = 5 : i64, tpu.core_type = #tpu.core_type<sc_vector_subcore>, window_params = [{transform_indices = #map}, {transform_indices = #map1}, {transform_indices = #map1}, {transform_indices = #map}, {transform_indices = #map1}]} {
    %mul3A = arith.constant 2 : i32
    %mul3A_0 = arith.muli %arg1, %mul3A : i32
    %add3A = arith.addi %mul3A_0, %arg0 : i32
    "tpu.region"() ({
      %run_scoped3A = tpu.sem_alloc : memref<!tpu.dma_semaphore, #tpu.memory_space<semaphore_mem>>
      %dma_start3A = arith.constant 0 : i32
      %dma_start3A_13 = arith.constant 0 : i32
      %dma_start3A_14 = tpu.memref_slice %arg3[%add3A, %dma_start3A, %dma_start3A_13] : memref<32x79x128xi32, #tpu.memory_space<hbm>> -> memref<1x79x128xi32, #tpu.memory_space<hbm>>
      %dma_start3A_15 = tpu.memref_squeeze %dma_start3A_14 : memref<1x79x128xi32, #tpu.memory_space<hbm>> -> memref<79x128xi32, #tpu.memory_space<hbm>>
      %dma_start3A_16 = arith.constant 0 : i32
      %dma_start3A_17 = arith.constant 0 : i32
      %dma_start3A_18 = tpu.memref_slice %arg3[%add3A, %dma_start3A_16, %dma_start3A_17] : memref<32x79x128xi32, #tpu.memory_space<hbm>> -> memref<1x79x128xi32, #tpu.memory_space<hbm>>
      %dma_start3A_19 = tpu.memref_squeeze %dma_start3A_18 : memref<1x79x128xi32, #tpu.memory_space<hbm>> -> memref<79x128xi32, #tpu.memory_space<hbm>>
      tpu.enqueue_dma source(%dma_start3A_19 : memref<79x128xi32, #tpu.memory_space<hbm>>) target(%arg7 : memref<79x128xi32, #tpu.memory_space<vmem>>) target_semaphore(%run_scoped3A : memref<!tpu.dma_semaphore, #tpu.memory_space<semaphore_mem>>)
      %dma_wait3A = arith.constant 0 : i32
      %dma_wait3A_20 = arith.constant 0 : i32
      %dma_wait3A_21 = tpu.memref_slice %arg3[%add3A, %dma_wait3A, %dma_wait3A_20] : memref<32x79x128xi32, #tpu.memory_space<hbm>> -> memref<1x79x128xi32, #tpu.memory_space<hbm>>
      %dma_wait3A_22 = tpu.memref_squeeze %dma_wait3A_21 : memref<1x79x128xi32, #tpu.memory_space<hbm>> -> memref<79x128xi32, #tpu.memory_space<hbm>>
      %dma_wait3A_23 = arith.constant 0 : i32
      %dma_wait3A_24 = arith.constant 0 : i32
      %dma_wait3A_25 = tpu.memref_slice %arg3[%add3A, %dma_wait3A_23, %dma_wait3A_24] : memref<32x79x128xi32, #tpu.memory_space<hbm>> -> memref<1x79x128xi32, #tpu.memory_space<hbm>>
      %dma_wait3A_26 = tpu.memref_squeeze %dma_wait3A_25 : memref<1x79x128xi32, #tpu.memory_space<hbm>> -> memref<79x128xi32, #tpu.memory_space<hbm>>
      tpu.wait_dma2 semaphore(%run_scoped3A : memref<!tpu.dma_semaphore, #tpu.memory_space<semaphore_mem>>) src(%dma_wait3A_26 : memref<79x128xi32, #tpu.memory_space<hbm>>) dst(%arg7 : memref<79x128xi32, #tpu.memory_space<vmem>>)
      tpu.yield
    }) : () -> ()
    "tpu.region"() ({
      %run_scoped3A = tpu.sem_alloc : memref<!tpu.dma_semaphore, #tpu.memory_space<semaphore_mem>>
      %dma_start3A = arith.constant 0 : i32
      %dma_start3A_13 = arith.constant 0 : i32
      %dma_start3A_14 = tpu.memref_slice %arg4[%add3A, %dma_start3A, %dma_start3A_13] : memref<32x79x128xi32, #tpu.memory_space<hbm>> -> memref<1x79x128xi32, #tpu.memory_space<hbm>>
      %dma_start3A_15 = tpu.memref_squeeze %dma_start3A_14 : memref<1x79x128xi32, #tpu.memory_space<hbm>> -> memref<79x128xi32, #tpu.memory_space<hbm>>
      %dma_start3A_16 = arith.constant 0 : i32
      %dma_start3A_17 = arith.constant 0 : i32
      %dma_start3A_18 = tpu.memref_slice %arg4[%add3A, %dma_start3A_16, %dma_start3A_17] : memref<32x79x128xi32, #tpu.memory_space<hbm>> -> memref<1x79x128xi32, #tpu.memory_space<hbm>>
      %dma_start3A_19 = tpu.memref_squeeze %dma_start3A_18 : memref<1x79x128xi32, #tpu.memory_space<hbm>> -> memref<79x128xi32, #tpu.memory_space<hbm>>
      tpu.enqueue_dma source(%dma_start3A_19 : memref<79x128xi32, #tpu.memory_space<hbm>>) target(%arg8 : memref<79x128xi32, #tpu.memory_space<vmem>>) target_semaphore(%run_scoped3A : memref<!tpu.dma_semaphore, #tpu.memory_space<semaphore_mem>>)
      %dma_wait3A = arith.constant 0 : i32
      %dma_wait3A_20 = arith.constant 0 : i32
      %dma_wait3A_21 = tpu.memref_slice %arg4[%add3A, %dma_wait3A, %dma_wait3A_20] : memref<32x79x128xi32, #tpu.memory_space<hbm>> -> memref<1x79x128xi32, #tpu.memory_space<hbm>>
      %dma_wait3A_22 = tpu.memref_squeeze %dma_wait3A_21 : memref<1x79x128xi32, #tpu.memory_space<hbm>> -> memref<79x128xi32, #tpu.memory_space<hbm>>
      %dma_wait3A_23 = arith.constant 0 : i32
      %dma_wait3A_24 = arith.constant 0 : i32
      %dma_wait3A_25 = tpu.memref_slice %arg4[%add3A, %dma_wait3A_23, %dma_wait3A_24] : memref<32x79x128xi32, #tpu.memory_space<hbm>> -> memref<1x79x128xi32, #tpu.memory_space<hbm>>
      %dma_wait3A_26 = tpu.memref_squeeze %dma_wait3A_25 : memref<1x79x128xi32, #tpu.memory_space<hbm>> -> memref<79x128xi32, #tpu.memory_space<hbm>>
      tpu.wait_dma2 semaphore(%run_scoped3A : memref<!tpu.dma_semaphore, #tpu.memory_space<semaphore_mem>>) src(%dma_wait3A_26 : memref<79x128xi32, #tpu.memory_space<hbm>>) dst(%arg8 : memref<79x128xi32, #tpu.memory_space<vmem>>)
      tpu.yield
    }) : () -> ()
    %mul3A_1 = arith.constant 640 : i32
    %mul3A_2 = arith.muli %arg1, %mul3A_1 : i32
    "tpu.region"() ({
      %run_scoped3A = tpu.sem_alloc : memref<!tpu.dma_semaphore, #tpu.memory_space<semaphore_mem>>
      %dma_start3A = arith.constant 0 : i32
      %dma_start3A_13 = tpu.memref_slice %arg10[%mul3A_2, %dma_start3A] : memref<10240x128xf32, #tpu.memory_space<vmem_shared>> -> memref<640x128xf32, #tpu.memory_space<vmem_shared>>
      tpu.enqueue_dma source(%arg5 : memref<640x128xf32, #tpu.memory_space<hbm>>) target(%dma_start3A_13 : memref<640x128xf32, #tpu.memory_space<vmem_shared>>) target_semaphore(%run_scoped3A : memref<!tpu.dma_semaphore, #tpu.memory_space<semaphore_mem>>)
      %dma_wait3A = arith.constant 0 : i32
      %dma_wait3A_14 = tpu.memref_slice %arg10[%mul3A_2, %dma_wait3A] : memref<10240x128xf32, #tpu.memory_space<vmem_shared>> -> memref<640x128xf32, #tpu.memory_space<vmem_shared>>
      tpu.wait_dma2 semaphore(%run_scoped3A : memref<!tpu.dma_semaphore, #tpu.memory_space<semaphore_mem>>) src(%arg5 : memref<640x128xf32, #tpu.memory_space<hbm>>) dst(%dma_wait3A_14 : memref<640x128xf32, #tpu.memory_space<vmem_shared>>)
      tpu.yield
    }) : () -> ()
    %barrier3A = arith.constant 0 : index
    tpu.barrier barrier_id(%barrier3A)
    %scan3A = arith.constant 0 : i32
    %scan3A_3 = arith.constant 0 : i32
    %scan3A_4 = arith.constant 79 : i32
    %scan3A_5 = arith.addi %scan3A_3, %scan3A_4 : i32
    %scan3A_6 = arith.constant 1 : i32
    scf.for %scan3A_13 = %scan3A_3 to %scan3A_5 step %scan3A_6  : i32 {
      %dma_start3A = arith.constant 0 : i32
      %dma_start3A_14 = tpu.memref_slice %arg7[%scan3A_13, %dma_start3A] : memref<79x128xi32, #tpu.memory_space<vmem>> -> memref<1x128xi32, #tpu.memory_space<vmem>>
      %dma_start3A_15 = tpu.memref_squeeze %dma_start3A_14 : memref<1x128xi32, #tpu.memory_space<vmem>> -> memref<128xi32, #tpu.memory_space<vmem>>
      %dma_start3A_16 = arith.constant 0 : i32
      %dma_start3A_17 = arith.constant 0 : i32
      %dma_start3A_18 = tpu.memref_slice %arg2[%dma_start3A_16, %dma_start3A_17] : memref<16x128xf32, #tpu.memory_space<hbm>> -> memref<16x128xf32, #tpu.memory_space<hbm>>
      tpu.enqueue_indirect_dma source(%dma_start3A_18 : memref<16x128xf32, #tpu.memory_space<hbm>>) target(%arg9 : memref<128x128xf32, #tpu.memory_space<vmem>>) offsets(%dma_start3A_15 : memref<128xi32, #tpu.memory_space<vmem>>) semaphore(%arg11 : memref<!tpu.dma_semaphore, #tpu.memory_space<semaphore_mem>>)
      %dma_wait3A = arith.constant 0 : i32
      %dma_wait3A_19 = tpu.memref_slice %arg7[%scan3A_13, %dma_wait3A] : memref<79x128xi32, #tpu.memory_space<vmem>> -> memref<1x128xi32, #tpu.memory_space<vmem>>
      %dma_wait3A_20 = tpu.memref_squeeze %dma_wait3A_19 : memref<1x128xi32, #tpu.memory_space<vmem>> -> memref<128xi32, #tpu.memory_space<vmem>>
      %dma_wait3A_21 = arith.constant 0 : i32
      %dma_wait3A_22 = arith.constant 0 : i32
      %dma_wait3A_23 = tpu.memref_slice %arg2[%dma_wait3A_21, %dma_wait3A_22] : memref<16x128xf32, #tpu.memory_space<hbm>> -> memref<16x128xf32, #tpu.memory_space<hbm>>
      tpu.wait_indirect_dma semaphore(%arg11 : memref<!tpu.dma_semaphore, #tpu.memory_space<semaphore_mem>>) src(%dma_wait3A_23 : memref<16x128xf32, #tpu.memory_space<hbm>>) dst(%arg9 : memref<128x128xf32, #tpu.memory_space<vmem>>)
      "tpu.region"() ({
        %run_scoped3A = tpu.sem_alloc : memref<!tpu.dma_semaphore, #tpu.memory_space<semaphore_mem>>
        %dma_start3A_24 = arith.constant 0 : i32
        %dma_start3A_25 = tpu.memref_slice %arg8[%scan3A_13, %dma_start3A_24] : memref<79x128xi32, #tpu.memory_space<vmem>> -> memref<1x128xi32, #tpu.memory_space<vmem>>
        %dma_start3A_26 = tpu.memref_squeeze %dma_start3A_25 : memref<1x128xi32, #tpu.memory_space<vmem>> -> memref<128xi32, #tpu.memory_space<vmem>>
        %dma_start3A_27 = arith.constant 0 : i32
        %dma_start3A_28 = arith.constant 0 : i32
        %dma_start3A_29 = tpu.memref_slice %arg10[%dma_start3A_27, %dma_start3A_28] : memref<10240x128xf32, #tpu.memory_space<vmem_shared>> -> memref<10240x128xf32, #tpu.memory_space<vmem_shared>>
        tpu.enqueue_indirect_dma source(%arg9 : memref<128x128xf32, #tpu.memory_space<vmem>>) target(%dma_start3A_29 : memref<10240x128xf32, #tpu.memory_space<vmem_shared>>) offsets(%dma_start3A_26 : memref<128xi32, #tpu.memory_space<vmem>>) semaphore(%run_scoped3A : memref<!tpu.dma_semaphore, #tpu.memory_space<semaphore_mem>>) {add = true}
        %dma_wait3A_30 = arith.constant 0 : i32
        %dma_wait3A_31 = tpu.memref_slice %arg8[%scan3A_13, %dma_wait3A_30] : memref<79x128xi32, #tpu.memory_space<vmem>> -> memref<1x128xi32, #tpu.memory_space<vmem>>
        %dma_wait3A_32 = tpu.memref_squeeze %dma_wait3A_31 : memref<1x128xi32, #tpu.memory_space<vmem>> -> memref<128xi32, #tpu.memory_space<vmem>>
        %dma_wait3A_33 = arith.constant 0 : i32
        %dma_wait3A_34 = arith.constant 0 : i32
        %dma_wait3A_35 = tpu.memref_slice %arg10[%dma_wait3A_33, %dma_wait3A_34] : memref<10240x128xf32, #tpu.memory_space<vmem_shared>> -> memref<10240x128xf32, #tpu.memory_space<vmem_shared>>
        tpu.wait_indirect_dma semaphore(%run_scoped3A : memref<!tpu.dma_semaphore, #tpu.memory_space<semaphore_mem>>) src(%arg9 : memref<128x128xf32, #tpu.memory_space<vmem>>) dst(%dma_wait3A_35 : memref<10240x128xf32, #tpu.memory_space<vmem_shared>>)
        tpu.yield
      }) : () -> ()
    }
    %scan3A_7 = arith.constant 79 : i32
    %barrier3A_8 = arith.constant 0 : index
    tpu.barrier barrier_id(%barrier3A_8)
    %mul3A_9 = arith.constant 640 : i32
    %mul3A_10 = arith.muli %arg1, %mul3A_9 : i32
    %mul3A_11 = arith.constant 640 : i32
    %mul3A_12 = arith.muli %arg1, %mul3A_11 : i32
    "tpu.region"() ({
      %run_scoped3A = tpu.sem_alloc : memref<!tpu.dma_semaphore, #tpu.memory_space<semaphore_mem>>
      %dma_start3A = arith.constant 0 : i32
      %dma_start3A_13 = tpu.memref_slice %arg6[%arg0, %mul3A_12, %dma_start3A] : memref<2x10240x128xf32, #tpu.memory_space<hbm>> -> memref<1x640x128xf32, #tpu.memory_space<hbm>>
      %dma_start3A_14 = tpu.memref_squeeze %dma_start3A_13 : memref<1x640x128xf32, #tpu.memory_space<hbm>> -> memref<640x128xf32, #tpu.memory_space<hbm>>
      %dma_start3A_15 = arith.constant 0 : i32
      %dma_start3A_16 = tpu.memref_slice %arg10[%mul3A_10, %dma_start3A_15] : memref<10240x128xf32, #tpu.memory_space<vmem_shared>> -> memref<640x128xf32, #tpu.memory_space<vmem_shared>>
      tpu.enqueue_dma source(%dma_start3A_16 : memref<640x128xf32, #tpu.memory_space<vmem_shared>>) target(%dma_start3A_14 : memref<640x128xf32, #tpu.memory_space<hbm>>) target_semaphore(%run_scoped3A : memref<!tpu.dma_semaphore, #tpu.memory_space<semaphore_mem>>)
      %dma_wait3A = arith.constant 0 : i32
      %dma_wait3A_17 = tpu.memref_slice %arg6[%arg0, %mul3A_12, %dma_wait3A] : memref<2x10240x128xf32, #tpu.memory_space<hbm>> -> memref<1x640x128xf32, #tpu.memory_space<hbm>>
      %dma_wait3A_18 = tpu.memref_squeeze %dma_wait3A_17 : memref<1x640x128xf32, #tpu.memory_space<hbm>> -> memref<640x128xf32, #tpu.memory_space<hbm>>
      %dma_wait3A_19 = arith.constant 0 : i32
      %dma_wait3A_20 = tpu.memref_slice %arg10[%mul3A_10, %dma_wait3A_19] : memref<10240x128xf32, #tpu.memory_space<vmem_shared>> -> memref<640x128xf32, #tpu.memory_space<vmem_shared>>
      tpu.wait_dma2 semaphore(%run_scoped3A : memref<!tpu.dma_semaphore, #tpu.memory_space<semaphore_mem>>) src(%dma_wait3A_20 : memref<640x128xf32, #tpu.memory_space<vmem_shared>>) dst(%dma_wait3A_18 : memref<640x128xf32, #tpu.memory_space<hbm>>)
      tpu.yield
    }) : () -> ()
    return
  }
}

#map = affine_map<(d0, d1) -> (0, 0)>
#map1 = affine_map<(d0, d1) -> (0, 0, 0)>
module attributes {stable_mosaic.version = 14 : i64} {
  func.func @_gather_scatter_body(%arg0: i32, %arg1: i32, %arg2: memref<10000x128xf32, #tpu.memory_space<hbm>>, %arg3: memref<32x79x128xi32, #tpu.memory_space<hbm>>, %arg4: memref<32x79x128xi32, #tpu.memory_space<hbm>>, %arg5: memref<640x128xf32, #tpu.memory_space<hbm>>, %arg6: memref<2x10240x128xf32, #tpu.memory_space<hbm>>, %arg7: memref<79x128xi32, #tpu.memory_space<vmem>>, %arg8: memref<79x128xi32, #tpu.memory_space<vmem>>, %arg9: memref<128x128xf32, #tpu.memory_space<vmem>>, %arg10: memref<10240x128xf32, #tpu.memory_space<vmem_shared>>, %arg11: memref<!tpu.dma_semaphore, #tpu.memory_space<semaphore_mem>>) attributes {dimension_semantics = [#tpu.dimension_semantics<core_parallel>, #tpu.dimension_semantics<subcore_parallel>], iteration_bounds = array<i64: 2, 16>, scalar_prefetch = 0 : i64, scratch_operands = 5 : i64, tpu.core_type = #tpu.core_type<sc_vector_subcore>, window_params = [{transform_indices = #map}, {transform_indices = #map1}, {transform_indices = #map1}, {transform_indices = #map}, {transform_indices = #map1}]} {
    %mul3A = arith.constant 2 : i32
    %mul3A_0 = arith.muli %arg1, %mul3A : i32
    %add3A = arith.addi %mul3A_0, %arg0 : i32
    "tpu.region"() ({
      %run_scoped3A = tpu.sem_alloc : memref<!tpu.dma_semaphore, #tpu.memory_space<semaphore_mem>>
      %dma_start3A = arith.constant 0 : i32
      %dma_start3A_13 = arith.constant 0 : i32
      %dma_start3A_14 = tpu.memref_slice %arg3[%add3A, %dma_start3A, %dma_start3A_13] : memref<32x79x128xi32, #tpu.memory_space<hbm>> -> memref<1x79x128xi32, #tpu.memory_space<hbm>>
      %dma_start3A_15 = tpu.memref_squeeze %dma_start3A_14 : memref<1x79x128xi32, #tpu.memory_space<hbm>> -> memref<79x128xi32, #tpu.memory_space<hbm>>
      %dma_start3A_16 = arith.constant 0 : i32
      %dma_start3A_17 = arith.constant 0 : i32
      %dma_start3A_18 = tpu.memref_slice %arg3[%add3A, %dma_start3A_16, %dma_start3A_17] : memref<32x79x128xi32, #tpu.memory_space<hbm>> -> memref<1x79x128xi32, #tpu.memory_space<hbm>>
      %dma_start3A_19 = tpu.memref_squeeze %dma_start3A_18 : memref<1x79x128xi32, #tpu.memory_space<hbm>> -> memref<79x128xi32, #tpu.memory_space<hbm>>
      tpu.enqueue_dma source(%dma_start3A_19 : memref<79x128xi32, #tpu.memory_space<hbm>>) target(%arg7 : memref<79x128xi32, #tpu.memory_space<vmem>>) target_semaphore(%run_scoped3A : memref<!tpu.dma_semaphore, #tpu.memory_space<semaphore_mem>>)
      %dma_wait3A = arith.constant 0 : i32
      %dma_wait3A_20 = arith.constant 0 : i32
      %dma_wait3A_21 = tpu.memref_slice %arg3[%add3A, %dma_wait3A, %dma_wait3A_20] : memref<32x79x128xi32, #tpu.memory_space<hbm>> -> memref<1x79x128xi32, #tpu.memory_space<hbm>>
      %dma_wait3A_22 = tpu.memref_squeeze %dma_wait3A_21 : memref<1x79x128xi32, #tpu.memory_space<hbm>> -> memref<79x128xi32, #tpu.memory_space<hbm>>
      %dma_wait3A_23 = arith.constant 0 : i32
      %dma_wait3A_24 = arith.constant 0 : i32
      %dma_wait3A_25 = tpu.memref_slice %arg3[%add3A, %dma_wait3A_23, %dma_wait3A_24] : memref<32x79x128xi32, #tpu.memory_space<hbm>> -> memref<1x79x128xi32, #tpu.memory_space<hbm>>
      %dma_wait3A_26 = tpu.memref_squeeze %dma_wait3A_25 : memref<1x79x128xi32, #tpu.memory_space<hbm>> -> memref<79x128xi32, #tpu.memory_space<hbm>>
      tpu.wait_dma2 semaphore(%run_scoped3A : memref<!tpu.dma_semaphore, #tpu.memory_space<semaphore_mem>>) src(%dma_wait3A_26 : memref<79x128xi32, #tpu.memory_space<hbm>>) dst(%arg7 : memref<79x128xi32, #tpu.memory_space<vmem>>)
      tpu.yield
    }) : () -> ()
    "tpu.region"() ({
      %run_scoped3A = tpu.sem_alloc : memref<!tpu.dma_semaphore, #tpu.memory_space<semaphore_mem>>
      %dma_start3A = arith.constant 0 : i32
      %dma_start3A_13 = arith.constant 0 : i32
      %dma_start3A_14 = tpu.memref_slice %arg4[%add3A, %dma_start3A, %dma_start3A_13] : memref<32x79x128xi32, #tpu.memory_space<hbm>> -> memref<1x79x128xi32, #tpu.memory_space<hbm>>
      %dma_start3A_15 = tpu.memref_squeeze %dma_start3A_14 : memref<1x79x128xi32, #tpu.memory_space<hbm>> -> memref<79x128xi32, #tpu.memory_space<hbm>>
      %dma_start3A_16 = arith.constant 0 : i32
      %dma_start3A_17 = arith.constant 0 : i32
      %dma_start3A_18 = tpu.memref_slice %arg4[%add3A, %dma_start3A_16, %dma_start3A_17] : memref<32x79x128xi32, #tpu.memory_space<hbm>> -> memref<1x79x128xi32, #tpu.memory_space<hbm>>
      %dma_start3A_19 = tpu.memref_squeeze %dma_start3A_18 : memref<1x79x128xi32, #tpu.memory_space<hbm>> -> memref<79x128xi32, #tpu.memory_space<hbm>>
      tpu.enqueue_dma source(%dma_start3A_19 : memref<79x128xi32, #tpu.memory_space<hbm>>) target(%arg8 : memref<79x128xi32, #tpu.memory_space<vmem>>) target_semaphore(%run_scoped3A : memref<!tpu.dma_semaphore, #tpu.memory_space<semaphore_mem>>)
      %dma_wait3A = arith.constant 0 : i32
      %dma_wait3A_20 = arith.constant 0 : i32
      %dma_wait3A_21 = tpu.memref_slice %arg4[%add3A, %dma_wait3A, %dma_wait3A_20] : memref<32x79x128xi32, #tpu.memory_space<hbm>> -> memref<1x79x128xi32, #tpu.memory_space<hbm>>
      %dma_wait3A_22 = tpu.memref_squeeze %dma_wait3A_21 : memref<1x79x128xi32, #tpu.memory_space<hbm>> -> memref<79x128xi32, #tpu.memory_space<hbm>>
      %dma_wait3A_23 = arith.constant 0 : i32
      %dma_wait3A_24 = arith.constant 0 : i32
      %dma_wait3A_25 = tpu.memref_slice %arg4[%add3A, %dma_wait3A_23, %dma_wait3A_24] : memref<32x79x128xi32, #tpu.memory_space<hbm>> -> memref<1x79x128xi32, #tpu.memory_space<hbm>>
      %dma_wait3A_26 = tpu.memref_squeeze %dma_wait3A_25 : memref<1x79x128xi32, #tpu.memory_space<hbm>> -> memref<79x128xi32, #tpu.memory_space<hbm>>
      tpu.wait_dma2 semaphore(%run_scoped3A : memref<!tpu.dma_semaphore, #tpu.memory_space<semaphore_mem>>) src(%dma_wait3A_26 : memref<79x128xi32, #tpu.memory_space<hbm>>) dst(%arg8 : memref<79x128xi32, #tpu.memory_space<vmem>>)
      tpu.yield
    }) : () -> ()
    %mul3A_1 = arith.constant 640 : i32
    %mul3A_2 = arith.muli %arg1, %mul3A_1 : i32
    "tpu.region"() ({
      %run_scoped3A = tpu.sem_alloc : memref<!tpu.dma_semaphore, #tpu.memory_space<semaphore_mem>>
      %dma_start3A = arith.constant 0 : i32
      %dma_start3A_13 = tpu.memref_slice %arg10[%mul3A_2, %dma_start3A] : memref<10240x128xf32, #tpu.memory_space<vmem_shared>> -> memref<640x128xf32, #tpu.memory_space<vmem_shared>>
      tpu.enqueue_dma source(%arg5 : memref<640x128xf32, #tpu.memory_space<hbm>>) target(%dma_start3A_13 : memref<640x128xf32, #tpu.memory_space<vmem_shared>>) target_semaphore(%run_scoped3A : memref<!tpu.dma_semaphore, #tpu.memory_space<semaphore_mem>>)
      %dma_wait3A = arith.constant 0 : i32
      %dma_wait3A_14 = tpu.memref_slice %arg10[%mul3A_2, %dma_wait3A] : memref<10240x128xf32, #tpu.memory_space<vmem_shared>> -> memref<640x128xf32, #tpu.memory_space<vmem_shared>>
      tpu.wait_dma2 semaphore(%run_scoped3A : memref<!tpu.dma_semaphore, #tpu.memory_space<semaphore_mem>>) src(%arg5 : memref<640x128xf32, #tpu.memory_space<hbm>>) dst(%dma_wait3A_14 : memref<640x128xf32, #tpu.memory_space<vmem_shared>>)
      tpu.yield
    }) : () -> ()
    %barrier3A = arith.constant 0 : index
    tpu.barrier barrier_id(%barrier3A)
    %scan3A = arith.constant 0 : i32
    %scan3A_3 = arith.constant 0 : i32
    %scan3A_4 = arith.constant 79 : i32
    %scan3A_5 = arith.addi %scan3A_3, %scan3A_4 : i32
    %scan3A_6 = arith.constant 1 : i32
    scf.for %scan3A_13 = %scan3A_3 to %scan3A_5 step %scan3A_6  : i32 {
      %dma_start3A = arith.constant 0 : i32
      %dma_start3A_14 = tpu.memref_slice %arg7[%scan3A_13, %dma_start3A] : memref<79x128xi32, #tpu.memory_space<vmem>> -> memref<1x128xi32, #tpu.memory_space<vmem>>
      %dma_start3A_15 = tpu.memref_squeeze %dma_start3A_14 : memref<1x128xi32, #tpu.memory_space<vmem>> -> memref<128xi32, #tpu.memory_space<vmem>>
      %dma_start3A_16 = arith.constant 0 : i32
      %dma_start3A_17 = arith.constant 0 : i32
      %dma_start3A_18 = tpu.memref_slice %arg2[%dma_start3A_16, %dma_start3A_17] : memref<10000x128xf32, #tpu.memory_space<hbm>> -> memref<10000x128xf32, #tpu.memory_space<hbm>>
      tpu.enqueue_indirect_dma source(%dma_start3A_18 : memref<10000x128xf32, #tpu.memory_space<hbm>>) target(%arg9 : memref<128x128xf32, #tpu.memory_space<vmem>>) offsets(%dma_start3A_15 : memref<128xi32, #tpu.memory_space<vmem>>) semaphore(%arg11 : memref<!tpu.dma_semaphore, #tpu.memory_space<semaphore_mem>>)
      %dma_wait3A = arith.constant 0 : i32
      %dma_wait3A_19 = tpu.memref_slice %arg7[%scan3A_13, %dma_wait3A] : memref<79x128xi32, #tpu.memory_space<vmem>> -> memref<1x128xi32, #tpu.memory_space<vmem>>
      %dma_wait3A_20 = tpu.memref_squeeze %dma_wait3A_19 : memref<1x128xi32, #tpu.memory_space<vmem>> -> memref<128xi32, #tpu.memory_space<vmem>>
      %dma_wait3A_21 = arith.constant 0 : i32
      %dma_wait3A_22 = arith.constant 0 : i32
      %dma_wait3A_23 = tpu.memref_slice %arg2[%dma_wait3A_21, %dma_wait3A_22] : memref<10000x128xf32, #tpu.memory_space<hbm>> -> memref<10000x128xf32, #tpu.memory_space<hbm>>
      tpu.wait_indirect_dma semaphore(%arg11 : memref<!tpu.dma_semaphore, #tpu.memory_space<semaphore_mem>>) src(%dma_wait3A_23 : memref<10000x128xf32, #tpu.memory_space<hbm>>) dst(%arg9 : memref<128x128xf32, #tpu.memory_space<vmem>>)
      "tpu.region"() ({
        %run_scoped3A = tpu.sem_alloc : memref<!tpu.dma_semaphore, #tpu.memory_space<semaphore_mem>>
        %dma_start3A_24 = arith.constant 0 : i32
        %dma_start3A_25 = tpu.memref_slice %arg8[%scan3A_13, %dma_start3A_24] : memref<79x128xi32, #tpu.memory_space<vmem>> -> memref<1x128xi32, #tpu.memory_space<vmem>>
        %dma_start3A_26 = tpu.memref_squeeze %dma_start3A_25 : memref<1x128xi32, #tpu.memory_space<vmem>> -> memref<128xi32, #tpu.memory_space<vmem>>
        %dma_start3A_27 = arith.constant 0 : i32
        %dma_start3A_28 = arith.constant 0 : i32
        %dma_start3A_29 = tpu.memref_slice %arg10[%dma_start3A_27, %dma_start3A_28] : memref<10240x128xf32, #tpu.memory_space<vmem_shared>> -> memref<10240x128xf32, #tpu.memory_space<vmem_shared>>
        tpu.enqueue_indirect_dma source(%arg9 : memref<128x128xf32, #tpu.memory_space<vmem>>) target(%dma_start3A_29 : memref<10240x128xf32, #tpu.memory_space<vmem_shared>>) offsets(%dma_start3A_26 : memref<128xi32, #tpu.memory_space<vmem>>) semaphore(%run_scoped3A : memref<!tpu.dma_semaphore, #tpu.memory_space<semaphore_mem>>) {add = true}
        %dma_wait3A_30 = arith.constant 0 : i32
        %dma_wait3A_31 = tpu.memref_slice %arg8[%scan3A_13, %dma_wait3A_30] : memref<79x128xi32, #tpu.memory_space<vmem>> -> memref<1x128xi32, #tpu.memory_space<vmem>>
        %dma_wait3A_32 = tpu.memref_squeeze %dma_wait3A_31 : memref<1x128xi32, #tpu.memory_space<vmem>> -> memref<128xi32, #tpu.memory_space<vmem>>
        %dma_wait3A_33 = arith.constant 0 : i32
        %dma_wait3A_34 = arith.constant 0 : i32
        %dma_wait3A_35 = tpu.memref_slice %arg10[%dma_wait3A_33, %dma_wait3A_34] : memref<10240x128xf32, #tpu.memory_space<vmem_shared>> -> memref<10240x128xf32, #tpu.memory_space<vmem_shared>>
        tpu.wait_indirect_dma semaphore(%run_scoped3A : memref<!tpu.dma_semaphore, #tpu.memory_space<semaphore_mem>>) src(%arg9 : memref<128x128xf32, #tpu.memory_space<vmem>>) dst(%dma_wait3A_35 : memref<10240x128xf32, #tpu.memory_space<vmem_shared>>)
        tpu.yield
      }) : () -> ()
    }
    %scan3A_7 = arith.constant 79 : i32
    %barrier3A_8 = arith.constant 0 : index
    tpu.barrier barrier_id(%barrier3A_8)
    %mul3A_9 = arith.constant 640 : i32
    %mul3A_10 = arith.muli %arg1, %mul3A_9 : i32
    %mul3A_11 = arith.constant 640 : i32
    %mul3A_12 = arith.muli %arg1, %mul3A_11 : i32
    "tpu.region"() ({
      %run_scoped3A = tpu.sem_alloc : memref<!tpu.dma_semaphore, #tpu.memory_space<semaphore_mem>>
      %dma_start3A = arith.constant 0 : i32
      %dma_start3A_13 = tpu.memref_slice %arg6[%arg0, %mul3A_12, %dma_start3A] : memref<2x10240x128xf32, #tpu.memory_space<hbm>> -> memref<1x640x128xf32, #tpu.memory_space<hbm>>
      %dma_start3A_14 = tpu.memref_squeeze %dma_start3A_13 : memref<1x640x128xf32, #tpu.memory_space<hbm>> -> memref<640x128xf32, #tpu.memory_space<hbm>>
      %dma_start3A_15 = arith.constant 0 : i32
      %dma_start3A_16 = tpu.memref_slice %arg10[%mul3A_10, %dma_start3A_15] : memref<10240x128xf32, #tpu.memory_space<vmem_shared>> -> memref<640x128xf32, #tpu.memory_space<vmem_shared>>
      tpu.enqueue_dma source(%dma_start3A_16 : memref<640x128xf32, #tpu.memory_space<vmem_shared>>) target(%dma_start3A_14 : memref<640x128xf32, #tpu.memory_space<hbm>>) target_semaphore(%run_scoped3A : memref<!tpu.dma_semaphore, #tpu.memory_space<semaphore_mem>>)
      %dma_wait3A = arith.constant 0 : i32
      %dma_wait3A_17 = tpu.memref_slice %arg6[%arg0, %mul3A_12, %dma_wait3A] : memref<2x10240x128xf32, #tpu.memory_space<hbm>> -> memref<1x640x128xf32, #tpu.memory_space<hbm>>
      %dma_wait3A_18 = tpu.memref_squeeze %dma_wait3A_17 : memref<1x640x128xf32, #tpu.memory_space<hbm>> -> memref<640x128xf32, #tpu.memory_space<hbm>>
      %dma_wait3A_19 = arith.constant 0 : i32
      %dma_wait3A_20 = tpu.memref_slice %arg10[%mul3A_10, %dma_wait3A_19] : memref<10240x128xf32, #tpu.memory_space<vmem_shared>> -> memref<640x128xf32, #tpu.memory_space<vmem_shared>>
      tpu.wait_dma2 semaphore(%run_scoped3A : memref<!tpu.dma_semaphore, #tpu.memory_space<semaphore_mem>>) src(%dma_wait3A_20 : memref<640x128xf32, #tpu.memory_space<vmem_shared>>) dst(%dma_wait3A_18 : memref<640x128xf32, #tpu.memory_space<hbm>>)
      tpu.yield
    }) : () -> ()
    return
  }
}

#map = affine_map<(d0, d1) -> (0, 0)>
#map1 = affine_map<(d0, d1) -> (0, 0, 0)>
module attributes {stable_mosaic.version = 14 : i64} {
  func.func @_gather_scatter_body(%arg0: i32, %arg1: i32, %arg2: memref<10000x128xf32, #tpu.memory_space<hbm>>, %arg3: memref<32x79x128xi32, #tpu.memory_space<hbm>>, %arg4: memref<32x79x128xi32, #tpu.memory_space<hbm>>, %arg5: memref<640x128xf32, #tpu.memory_space<hbm>>, %arg6: memref<2x10240x128xf32, #tpu.memory_space<hbm>>, %arg7: memref<79x128xi32, #tpu.memory_space<vmem>>, %arg8: memref<79x128xi32, #tpu.memory_space<vmem>>, %arg9: memref<128x128xf32, #tpu.memory_space<vmem>>, %arg10: memref<10240x128xf32, #tpu.memory_space<vmem_shared>>, %arg11: memref<!tpu.dma_semaphore, #tpu.memory_space<semaphore_mem>>) attributes {dimension_semantics = [#tpu.dimension_semantics<core_parallel>, #tpu.dimension_semantics<subcore_parallel>], iteration_bounds = array<i64: 2, 16>, scalar_prefetch = 0 : i64, scratch_operands = 5 : i64, tpu.core_type = #tpu.core_type<sc_vector_subcore>, window_params = [{transform_indices = #map}, {transform_indices = #map1}, {transform_indices = #map1}, {transform_indices = #map}, {transform_indices = #map1}]} {
    %mul3A = arith.constant 2 : i32
    %mul3A_0 = arith.muli %arg1, %mul3A : i32
    %add3A = arith.addi %mul3A_0, %arg0 : i32
    "tpu.region"() ({
      %run_scoped3A = tpu.sem_alloc : memref<!tpu.dma_semaphore, #tpu.memory_space<semaphore_mem>>
      %dma_start3A = arith.constant 0 : i32
      %dma_start3A_13 = arith.constant 0 : i32
      %dma_start3A_14 = tpu.memref_slice %arg3[%add3A, %dma_start3A, %dma_start3A_13] : memref<32x79x128xi32, #tpu.memory_space<hbm>> -> memref<1x79x128xi32, #tpu.memory_space<hbm>>
      %dma_start3A_15 = tpu.memref_squeeze %dma_start3A_14 : memref<1x79x128xi32, #tpu.memory_space<hbm>> -> memref<79x128xi32, #tpu.memory_space<hbm>>
      %dma_start3A_16 = arith.constant 0 : i32
      %dma_start3A_17 = arith.constant 0 : i32
      %dma_start3A_18 = tpu.memref_slice %arg3[%add3A, %dma_start3A_16, %dma_start3A_17] : memref<32x79x128xi32, #tpu.memory_space<hbm>> -> memref<1x79x128xi32, #tpu.memory_space<hbm>>
      %dma_start3A_19 = tpu.memref_squeeze %dma_start3A_18 : memref<1x79x128xi32, #tpu.memory_space<hbm>> -> memref<79x128xi32, #tpu.memory_space<hbm>>
      tpu.enqueue_dma source(%dma_start3A_19 : memref<79x128xi32, #tpu.memory_space<hbm>>) target(%arg7 : memref<79x128xi32, #tpu.memory_space<vmem>>) target_semaphore(%run_scoped3A : memref<!tpu.dma_semaphore, #tpu.memory_space<semaphore_mem>>)
      %dma_wait3A = arith.constant 0 : i32
      %dma_wait3A_20 = arith.constant 0 : i32
      %dma_wait3A_21 = tpu.memref_slice %arg3[%add3A, %dma_wait3A, %dma_wait3A_20] : memref<32x79x128xi32, #tpu.memory_space<hbm>> -> memref<1x79x128xi32, #tpu.memory_space<hbm>>
      %dma_wait3A_22 = tpu.memref_squeeze %dma_wait3A_21 : memref<1x79x128xi32, #tpu.memory_space<hbm>> -> memref<79x128xi32, #tpu.memory_space<hbm>>
      %dma_wait3A_23 = arith.constant 0 : i32
      %dma_wait3A_24 = arith.constant 0 : i32
      %dma_wait3A_25 = tpu.memref_slice %arg3[%add3A, %dma_wait3A_23, %dma_wait3A_24] : memref<32x79x128xi32, #tpu.memory_space<hbm>> -> memref<1x79x128xi32, #tpu.memory_space<hbm>>
      %dma_wait3A_26 = tpu.memref_squeeze %dma_wait3A_25 : memref<1x79x128xi32, #tpu.memory_space<hbm>> -> memref<79x128xi32, #tpu.memory_space<hbm>>
      tpu.wait_dma2 semaphore(%run_scoped3A : memref<!tpu.dma_semaphore, #tpu.memory_space<semaphore_mem>>) src(%dma_wait3A_26 : memref<79x128xi32, #tpu.memory_space<hbm>>) dst(%arg7 : memref<79x128xi32, #tpu.memory_space<vmem>>)
      tpu.yield
    }) : () -> ()
    "tpu.region"() ({
      %run_scoped3A = tpu.sem_alloc : memref<!tpu.dma_semaphore, #tpu.memory_space<semaphore_mem>>
      %dma_start3A = arith.constant 0 : i32
      %dma_start3A_13 = arith.constant 0 : i32
      %dma_start3A_14 = tpu.memref_slice %arg4[%add3A, %dma_start3A, %dma_start3A_13] : memref<32x79x128xi32, #tpu.memory_space<hbm>> -> memref<1x79x128xi32, #tpu.memory_space<hbm>>
      %dma_start3A_15 = tpu.memref_squeeze %dma_start3A_14 : memref<1x79x128xi32, #tpu.memory_space<hbm>> -> memref<79x128xi32, #tpu.memory_space<hbm>>
      %dma_start3A_16 = arith.constant 0 : i32
      %dma_start3A_17 = arith.constant 0 : i32
      %dma_start3A_18 = tpu.memref_slice %arg4[%add3A, %dma_start3A_16, %dma_start3A_17] : memref<32x79x128xi32, #tpu.memory_space<hbm>> -> memref<1x79x128xi32, #tpu.memory_space<hbm>>
      %dma_start3A_19 = tpu.memref_squeeze %dma_start3A_18 : memref<1x79x128xi32, #tpu.memory_space<hbm>> -> memref<79x128xi32, #tpu.memory_space<hbm>>
      tpu.enqueue_dma source(%dma_start3A_19 : memref<79x128xi32, #tpu.memory_space<hbm>>) target(%arg8 : memref<79x128xi32, #tpu.memory_space<vmem>>) target_semaphore(%run_scoped3A : memref<!tpu.dma_semaphore, #tpu.memory_space<semaphore_mem>>)
      %dma_wait3A = arith.constant 0 : i32
      %dma_wait3A_20 = arith.constant 0 : i32
      %dma_wait3A_21 = tpu.memref_slice %arg4[%add3A, %dma_wait3A, %dma_wait3A_20] : memref<32x79x128xi32, #tpu.memory_space<hbm>> -> memref<1x79x128xi32, #tpu.memory_space<hbm>>
      %dma_wait3A_22 = tpu.memref_squeeze %dma_wait3A_21 : memref<1x79x128xi32, #tpu.memory_space<hbm>> -> memref<79x128xi32, #tpu.memory_space<hbm>>
      %dma_wait3A_23 = arith.constant 0 : i32
      %dma_wait3A_24 = arith.constant 0 : i32
      %dma_wait3A_25 = tpu.memref_slice %arg4[%add3A, %dma_wait3A_23, %dma_wait3A_24] : memref<32x79x128xi32, #tpu.memory_space<hbm>> -> memref<1x79x128xi32, #tpu.memory_space<hbm>>
      %dma_wait3A_26 = tpu.memref_squeeze %dma_wait3A_25 : memref<1x79x128xi32, #tpu.memory_space<hbm>> -> memref<79x128xi32, #tpu.memory_space<hbm>>
      tpu.wait_dma2 semaphore(%run_scoped3A : memref<!tpu.dma_semaphore, #tpu.memory_space<semaphore_mem>>) src(%dma_wait3A_26 : memref<79x128xi32, #tpu.memory_space<hbm>>) dst(%arg8 : memref<79x128xi32, #tpu.memory_space<vmem>>)
      tpu.yield
    }) : () -> ()
    %mul3A_1 = arith.constant 640 : i32
    %mul3A_2 = arith.muli %arg1, %mul3A_1 : i32
    "tpu.region"() ({
      %run_scoped3A = tpu.sem_alloc : memref<!tpu.dma_semaphore, #tpu.memory_space<semaphore_mem>>
      %dma_start3A = arith.constant 0 : i32
      %dma_start3A_13 = tpu.memref_slice %arg10[%mul3A_2, %dma_start3A] : memref<10240x128xf32, #tpu.memory_space<vmem_shared>> -> memref<640x128xf32, #tpu.memory_space<vmem_shared>>
      tpu.enqueue_dma source(%arg5 : memref<640x128xf32, #tpu.memory_space<hbm>>) target(%dma_start3A_13 : memref<640x128xf32, #tpu.memory_space<vmem_shared>>) target_semaphore(%run_scoped3A : memref<!tpu.dma_semaphore, #tpu.memory_space<semaphore_mem>>)
      %dma_wait3A = arith.constant 0 : i32
      %dma_wait3A_14 = tpu.memref_slice %arg10[%mul3A_2, %dma_wait3A] : memref<10240x128xf32, #tpu.memory_space<vmem_shared>> -> memref<640x128xf32, #tpu.memory_space<vmem_shared>>
      tpu.wait_dma2 semaphore(%run_scoped3A : memref<!tpu.dma_semaphore, #tpu.memory_space<semaphore_mem>>) src(%arg5 : memref<640x128xf32, #tpu.memory_space<hbm>>) dst(%dma_wait3A_14 : memref<640x128xf32, #tpu.memory_space<vmem_shared>>)
      tpu.yield
    }) : () -> ()
    %barrier3A = arith.constant 0 : index
    tpu.barrier barrier_id(%barrier3A)
    %scan3A = arith.constant 0 : i32
    %scan3A_3 = arith.constant 0 : i32
    %scan3A_4 = arith.constant 79 : i32
    %scan3A_5 = arith.addi %scan3A_3, %scan3A_4 : i32
    %scan3A_6 = arith.constant 1 : i32
    scf.for %scan3A_13 = %scan3A_3 to %scan3A_5 step %scan3A_6  : i32 {
      %dma_start3A = arith.constant 0 : i32
      %dma_start3A_14 = tpu.memref_slice %arg7[%scan3A_13, %dma_start3A] : memref<79x128xi32, #tpu.memory_space<vmem>> -> memref<1x128xi32, #tpu.memory_space<vmem>>
      %dma_start3A_15 = tpu.memref_squeeze %dma_start3A_14 : memref<1x128xi32, #tpu.memory_space<vmem>> -> memref<128xi32, #tpu.memory_space<vmem>>
      %dma_start3A_16 = arith.constant 0 : i32
      %dma_start3A_17 = arith.constant 0 : i32
      %dma_start3A_18 = tpu.memref_slice %arg2[%dma_start3A_16, %dma_start3A_17] : memref<10000x128xf32, #tpu.memory_space<hbm>> -> memref<10000x128xf32, #tpu.memory_space<hbm>>
      tpu.enqueue_indirect_dma source(%dma_start3A_18 : memref<10000x128xf32, #tpu.memory_space<hbm>>) target(%arg9 : memref<128x128xf32, #tpu.memory_space<vmem>>) offsets(%dma_start3A_15 : memref<128xi32, #tpu.memory_space<vmem>>) semaphore(%arg11 : memref<!tpu.dma_semaphore, #tpu.memory_space<semaphore_mem>>)
      %dma_wait3A = arith.constant 0 : i32
      %dma_wait3A_19 = tpu.memref_slice %arg7[%scan3A_13, %dma_wait3A] : memref<79x128xi32, #tpu.memory_space<vmem>> -> memref<1x128xi32, #tpu.memory_space<vmem>>
      %dma_wait3A_20 = tpu.memref_squeeze %dma_wait3A_19 : memref<1x128xi32, #tpu.memory_space<vmem>> -> memref<128xi32, #tpu.memory_space<vmem>>
      %dma_wait3A_21 = arith.constant 0 : i32
      %dma_wait3A_22 = arith.constant 0 : i32
      %dma_wait3A_23 = tpu.memref_slice %arg2[%dma_wait3A_21, %dma_wait3A_22] : memref<10000x128xf32, #tpu.memory_space<hbm>> -> memref<10000x128xf32, #tpu.memory_space<hbm>>
      tpu.wait_indirect_dma semaphore(%arg11 : memref<!tpu.dma_semaphore, #tpu.memory_space<semaphore_mem>>) src(%dma_wait3A_23 : memref<10000x128xf32, #tpu.memory_space<hbm>>) dst(%arg9 : memref<128x128xf32, #tpu.memory_space<vmem>>)
      "tpu.region"() ({
        %run_scoped3A = tpu.sem_alloc : memref<!tpu.dma_semaphore, #tpu.memory_space<semaphore_mem>>
        %dma_start3A_24 = arith.constant 0 : i32
        %dma_start3A_25 = tpu.memref_slice %arg8[%scan3A_13, %dma_start3A_24] : memref<79x128xi32, #tpu.memory_space<vmem>> -> memref<1x128xi32, #tpu.memory_space<vmem>>
        %dma_start3A_26 = tpu.memref_squeeze %dma_start3A_25 : memref<1x128xi32, #tpu.memory_space<vmem>> -> memref<128xi32, #tpu.memory_space<vmem>>
        %dma_start3A_27 = arith.constant 0 : i32
        %dma_start3A_28 = arith.constant 0 : i32
        %dma_start3A_29 = tpu.memref_slice %arg10[%dma_start3A_27, %dma_start3A_28] : memref<10240x128xf32, #tpu.memory_space<vmem_shared>> -> memref<10240x128xf32, #tpu.memory_space<vmem_shared>>
        tpu.enqueue_indirect_dma source(%arg9 : memref<128x128xf32, #tpu.memory_space<vmem>>) target(%dma_start3A_29 : memref<10240x128xf32, #tpu.memory_space<vmem_shared>>) offsets(%dma_start3A_26 : memref<128xi32, #tpu.memory_space<vmem>>) semaphore(%run_scoped3A : memref<!tpu.dma_semaphore, #tpu.memory_space<semaphore_mem>>) {add = true}
        %dma_wait3A_30 = arith.constant 0 : i32
        %dma_wait3A_31 = tpu.memref_slice %arg8[%scan3A_13, %dma_wait3A_30] : memref<79x128xi32, #tpu.memory_space<vmem>> -> memref<1x128xi32, #tpu.memory_space<vmem>>
        %dma_wait3A_32 = tpu.memref_squeeze %dma_wait3A_31 : memref<1x128xi32, #tpu.memory_space<vmem>> -> memref<128xi32, #tpu.memory_space<vmem>>
        %dma_wait3A_33 = arith.constant 0 : i32
        %dma_wait3A_34 = arith.constant 0 : i32
        %dma_wait3A_35 = tpu.memref_slice %arg10[%dma_wait3A_33, %dma_wait3A_34] : memref<10240x128xf32, #tpu.memory_space<vmem_shared>> -> memref<10240x128xf32, #tpu.memory_space<vmem_shared>>
        tpu.wait_indirect_dma semaphore(%run_scoped3A : memref<!tpu.dma_semaphore, #tpu.memory_space<semaphore_mem>>) src(%arg9 : memref<128x128xf32, #tpu.memory_space<vmem>>) dst(%dma_wait3A_35 : memref<10240x128xf32, #tpu.memory_space<vmem_shared>>)
        tpu.yield
      }) : () -> ()
    }
    %scan3A_7 = arith.constant 79 : i32
    %barrier3A_8 = arith.constant 0 : index
    tpu.barrier barrier_id(%barrier3A_8)
    %mul3A_9 = arith.constant 640 : i32
    %mul3A_10 = arith.muli %arg1, %mul3A_9 : i32
    %mul3A_11 = arith.constant 640 : i32
    %mul3A_12 = arith.muli %arg1, %mul3A_11 : i32
    "tpu.region"() ({
      %run_scoped3A = tpu.sem_alloc : memref<!tpu.dma_semaphore, #tpu.memory_space<semaphore_mem>>
      %dma_start3A = arith.constant 0 : i32
      %dma_start3A_13 = tpu.memref_slice %arg6[%arg0, %mul3A_12, %dma_start3A] : memref<2x10240x128xf32, #tpu.memory_space<hbm>> -> memref<1x640x128xf32, #tpu.memory_space<hbm>>
      %dma_start3A_14 = tpu.memref_squeeze %dma_start3A_13 : memref<1x640x128xf32, #tpu.memory_space<hbm>> -> memref<640x128xf32, #tpu.memory_space<hbm>>
      %dma_start3A_15 = arith.constant 0 : i32
      %dma_start3A_16 = tpu.memref_slice %arg10[%mul3A_10, %dma_start3A_15] : memref<10240x128xf32, #tpu.memory_space<vmem_shared>> -> memref<640x128xf32, #tpu.memory_space<vmem_shared>>
      tpu.enqueue_dma source(%dma_start3A_16 : memref<640x128xf32, #tpu.memory_space<vmem_shared>>) target(%dma_start3A_14 : memref<640x128xf32, #tpu.memory_space<hbm>>) target_semaphore(%run_scoped3A : memref<!tpu.dma_semaphore, #tpu.memory_space<semaphore_mem>>)
      %dma_wait3A = arith.constant 0 : i32
      %dma_wait3A_17 = tpu.memref_slice %arg6[%arg0, %mul3A_12, %dma_wait3A] : memref<2x10240x128xf32, #tpu.memory_space<hbm>> -> memref<1x640x128xf32, #tpu.memory_space<hbm>>
      %dma_wait3A_18 = tpu.memref_squeeze %dma_wait3A_17 : memref<1x640x128xf32, #tpu.memory_space<hbm>> -> memref<640x128xf32, #tpu.memory_space<hbm>>
      %dma_wait3A_19 = arith.constant 0 : i32
      %dma_wait3A_20 = tpu.memref_slice %arg10[%mul3A_10, %dma_wait3A_19] : memref<10240x128xf32, #tpu.memory_space<vmem_shared>> -> memref<640x128xf32, #tpu.memory_space<vmem_shared>>
      tpu.wait_dma2 semaphore(%run_scoped3A : memref<!tpu.dma_semaphore, #tpu.memory_space<semaphore_mem>>) src(%dma_wait3A_20 : memref<640x128xf32, #tpu.memory_space<vmem_shared>>) dst(%dma_wait3A_18 : memref<640x128xf32, #tpu.memory_space<hbm>>)
      tpu.yield
    }) : () -> ()
    return
  }
}

#map = affine_map<(d0, d1) -> (0, 0)>
#map1 = affine_map<(d0, d1) -> (0, 0, 0)>
module attributes {stable_mosaic.version = 14 : i64} {
  func.func @_gather_scatter_body(%arg0: i32, %arg1: i32, %arg2: memref<10000x128xf32, #tpu.memory_space<hbm>>, %arg3: memref<32x79x128xi32, #tpu.memory_space<hbm>>, %arg4: memref<32x79x128xi32, #tpu.memory_space<hbm>>, %arg5: memref<640x128xf32, #tpu.memory_space<hbm>>, %arg6: memref<2x10240x128xf32, #tpu.memory_space<hbm>>, %arg7: memref<79x128xi32, #tpu.memory_space<vmem>>, %arg8: memref<79x128xi32, #tpu.memory_space<vmem>>, %arg9: memref<128x128xf32, #tpu.memory_space<vmem>>, %arg10: memref<10240x128xf32, #tpu.memory_space<vmem_shared>>, %arg11: memref<!tpu.dma_semaphore, #tpu.memory_space<semaphore_mem>>) attributes {dimension_semantics = [#tpu.dimension_semantics<core_parallel>, #tpu.dimension_semantics<subcore_parallel>], iteration_bounds = array<i64: 2, 16>, scalar_prefetch = 0 : i64, scratch_operands = 5 : i64, tpu.core_type = #tpu.core_type<sc_vector_subcore>, window_params = [{transform_indices = #map}, {transform_indices = #map1}, {transform_indices = #map1}, {transform_indices = #map}, {transform_indices = #map1}]} {
    %mul3A = arith.constant 2 : i32
    %mul3A_0 = arith.muli %arg1, %mul3A : i32
    %add3A = arith.addi %mul3A_0, %arg0 : i32
    "tpu.region"() ({
      %run_scoped3A = tpu.sem_alloc : memref<!tpu.dma_semaphore, #tpu.memory_space<semaphore_mem>>
      %dma_start3A = arith.constant 0 : i32
      %dma_start3A_13 = arith.constant 0 : i32
      %dma_start3A_14 = tpu.memref_slice %arg3[%add3A, %dma_start3A, %dma_start3A_13] : memref<32x79x128xi32, #tpu.memory_space<hbm>> -> memref<1x79x128xi32, #tpu.memory_space<hbm>>
      %dma_start3A_15 = tpu.memref_squeeze %dma_start3A_14 : memref<1x79x128xi32, #tpu.memory_space<hbm>> -> memref<79x128xi32, #tpu.memory_space<hbm>>
      %dma_start3A_16 = arith.constant 0 : i32
      %dma_start3A_17 = arith.constant 0 : i32
      %dma_start3A_18 = tpu.memref_slice %arg3[%add3A, %dma_start3A_16, %dma_start3A_17] : memref<32x79x128xi32, #tpu.memory_space<hbm>> -> memref<1x79x128xi32, #tpu.memory_space<hbm>>
      %dma_start3A_19 = tpu.memref_squeeze %dma_start3A_18 : memref<1x79x128xi32, #tpu.memory_space<hbm>> -> memref<79x128xi32, #tpu.memory_space<hbm>>
      tpu.enqueue_dma source(%dma_start3A_19 : memref<79x128xi32, #tpu.memory_space<hbm>>) target(%arg7 : memref<79x128xi32, #tpu.memory_space<vmem>>) target_semaphore(%run_scoped3A : memref<!tpu.dma_semaphore, #tpu.memory_space<semaphore_mem>>)
      %dma_wait3A = arith.constant 0 : i32
      %dma_wait3A_20 = arith.constant 0 : i32
      %dma_wait3A_21 = tpu.memref_slice %arg3[%add3A, %dma_wait3A, %dma_wait3A_20] : memref<32x79x128xi32, #tpu.memory_space<hbm>> -> memref<1x79x128xi32, #tpu.memory_space<hbm>>
      %dma_wait3A_22 = tpu.memref_squeeze %dma_wait3A_21 : memref<1x79x128xi32, #tpu.memory_space<hbm>> -> memref<79x128xi32, #tpu.memory_space<hbm>>
      %dma_wait3A_23 = arith.constant 0 : i32
      %dma_wait3A_24 = arith.constant 0 : i32
      %dma_wait3A_25 = tpu.memref_slice %arg3[%add3A, %dma_wait3A_23, %dma_wait3A_24] : memref<32x79x128xi32, #tpu.memory_space<hbm>> -> memref<1x79x128xi32, #tpu.memory_space<hbm>>
      %dma_wait3A_26 = tpu.memref_squeeze %dma_wait3A_25 : memref<1x79x128xi32, #tpu.memory_space<hbm>> -> memref<79x128xi32, #tpu.memory_space<hbm>>
      tpu.wait_dma2 semaphore(%run_scoped3A : memref<!tpu.dma_semaphore, #tpu.memory_space<semaphore_mem>>) src(%dma_wait3A_26 : memref<79x128xi32, #tpu.memory_space<hbm>>) dst(%arg7 : memref<79x128xi32, #tpu.memory_space<vmem>>)
      tpu.yield
    }) : () -> ()
    "tpu.region"() ({
      %run_scoped3A = tpu.sem_alloc : memref<!tpu.dma_semaphore, #tpu.memory_space<semaphore_mem>>
      %dma_start3A = arith.constant 0 : i32
      %dma_start3A_13 = arith.constant 0 : i32
      %dma_start3A_14 = tpu.memref_slice %arg4[%add3A, %dma_start3A, %dma_start3A_13] : memref<32x79x128xi32, #tpu.memory_space<hbm>> -> memref<1x79x128xi32, #tpu.memory_space<hbm>>
      %dma_start3A_15 = tpu.memref_squeeze %dma_start3A_14 : memref<1x79x128xi32, #tpu.memory_space<hbm>> -> memref<79x128xi32, #tpu.memory_space<hbm>>
      %dma_start3A_16 = arith.constant 0 : i32
      %dma_start3A_17 = arith.constant 0 : i32
      %dma_start3A_18 = tpu.memref_slice %arg4[%add3A, %dma_start3A_16, %dma_start3A_17] : memref<32x79x128xi32, #tpu.memory_space<hbm>> -> memref<1x79x128xi32, #tpu.memory_space<hbm>>
      %dma_start3A_19 = tpu.memref_squeeze %dma_start3A_18 : memref<1x79x128xi32, #tpu.memory_space<hbm>> -> memref<79x128xi32, #tpu.memory_space<hbm>>
      tpu.enqueue_dma source(%dma_start3A_19 : memref<79x128xi32, #tpu.memory_space<hbm>>) target(%arg8 : memref<79x128xi32, #tpu.memory_space<vmem>>) target_semaphore(%run_scoped3A : memref<!tpu.dma_semaphore, #tpu.memory_space<semaphore_mem>>)
      %dma_wait3A = arith.constant 0 : i32
      %dma_wait3A_20 = arith.constant 0 : i32
      %dma_wait3A_21 = tpu.memref_slice %arg4[%add3A, %dma_wait3A, %dma_wait3A_20] : memref<32x79x128xi32, #tpu.memory_space<hbm>> -> memref<1x79x128xi32, #tpu.memory_space<hbm>>
      %dma_wait3A_22 = tpu.memref_squeeze %dma_wait3A_21 : memref<1x79x128xi32, #tpu.memory_space<hbm>> -> memref<79x128xi32, #tpu.memory_space<hbm>>
      %dma_wait3A_23 = arith.constant 0 : i32
      %dma_wait3A_24 = arith.constant 0 : i32
      %dma_wait3A_25 = tpu.memref_slice %arg4[%add3A, %dma_wait3A_23, %dma_wait3A_24] : memref<32x79x128xi32, #tpu.memory_space<hbm>> -> memref<1x79x128xi32, #tpu.memory_space<hbm>>
      %dma_wait3A_26 = tpu.memref_squeeze %dma_wait3A_25 : memref<1x79x128xi32, #tpu.memory_space<hbm>> -> memref<79x128xi32, #tpu.memory_space<hbm>>
      tpu.wait_dma2 semaphore(%run_scoped3A : memref<!tpu.dma_semaphore, #tpu.memory_space<semaphore_mem>>) src(%dma_wait3A_26 : memref<79x128xi32, #tpu.memory_space<hbm>>) dst(%arg8 : memref<79x128xi32, #tpu.memory_space<vmem>>)
      tpu.yield
    }) : () -> ()
    %mul3A_1 = arith.constant 640 : i32
    %mul3A_2 = arith.muli %arg1, %mul3A_1 : i32
    "tpu.region"() ({
      %run_scoped3A = tpu.sem_alloc : memref<!tpu.dma_semaphore, #tpu.memory_space<semaphore_mem>>
      %dma_start3A = arith.constant 0 : i32
      %dma_start3A_13 = tpu.memref_slice %arg10[%mul3A_2, %dma_start3A] : memref<10240x128xf32, #tpu.memory_space<vmem_shared>> -> memref<640x128xf32, #tpu.memory_space<vmem_shared>>
      tpu.enqueue_dma source(%arg5 : memref<640x128xf32, #tpu.memory_space<hbm>>) target(%dma_start3A_13 : memref<640x128xf32, #tpu.memory_space<vmem_shared>>) target_semaphore(%run_scoped3A : memref<!tpu.dma_semaphore, #tpu.memory_space<semaphore_mem>>)
      %dma_wait3A = arith.constant 0 : i32
      %dma_wait3A_14 = tpu.memref_slice %arg10[%mul3A_2, %dma_wait3A] : memref<10240x128xf32, #tpu.memory_space<vmem_shared>> -> memref<640x128xf32, #tpu.memory_space<vmem_shared>>
      tpu.wait_dma2 semaphore(%run_scoped3A : memref<!tpu.dma_semaphore, #tpu.memory_space<semaphore_mem>>) src(%arg5 : memref<640x128xf32, #tpu.memory_space<hbm>>) dst(%dma_wait3A_14 : memref<640x128xf32, #tpu.memory_space<vmem_shared>>)
      tpu.yield
    }) : () -> ()
    %barrier3A = arith.constant 0 : index
    tpu.barrier barrier_id(%barrier3A)
    %scan3A = arith.constant 0 : i32
    %scan3A_3 = arith.constant 0 : i32
    %scan3A_4 = arith.constant 79 : i32
    %scan3A_5 = arith.addi %scan3A_3, %scan3A_4 : i32
    %scan3A_6 = arith.constant 1 : i32
    scf.for %scan3A_13 = %scan3A_3 to %scan3A_5 step %scan3A_6  : i32 {
      %dma_start3A = arith.constant 0 : i32
      %dma_start3A_14 = tpu.memref_slice %arg7[%scan3A_13, %dma_start3A] : memref<79x128xi32, #tpu.memory_space<vmem>> -> memref<1x128xi32, #tpu.memory_space<vmem>>
      %dma_start3A_15 = tpu.memref_squeeze %dma_start3A_14 : memref<1x128xi32, #tpu.memory_space<vmem>> -> memref<128xi32, #tpu.memory_space<vmem>>
      %dma_start3A_16 = arith.constant 0 : i32
      %dma_start3A_17 = arith.constant 0 : i32
      %dma_start3A_18 = tpu.memref_slice %arg2[%dma_start3A_16, %dma_start3A_17] : memref<10000x128xf32, #tpu.memory_space<hbm>> -> memref<10000x128xf32, #tpu.memory_space<hbm>>
      tpu.enqueue_indirect_dma source(%dma_start3A_18 : memref<10000x128xf32, #tpu.memory_space<hbm>>) target(%arg9 : memref<128x128xf32, #tpu.memory_space<vmem>>) offsets(%dma_start3A_15 : memref<128xi32, #tpu.memory_space<vmem>>) semaphore(%arg11 : memref<!tpu.dma_semaphore, #tpu.memory_space<semaphore_mem>>)
      %dma_wait3A = arith.constant 0 : i32
      %dma_wait3A_19 = tpu.memref_slice %arg7[%scan3A_13, %dma_wait3A] : memref<79x128xi32, #tpu.memory_space<vmem>> -> memref<1x128xi32, #tpu.memory_space<vmem>>
      %dma_wait3A_20 = tpu.memref_squeeze %dma_wait3A_19 : memref<1x128xi32, #tpu.memory_space<vmem>> -> memref<128xi32, #tpu.memory_space<vmem>>
      %dma_wait3A_21 = arith.constant 0 : i32
      %dma_wait3A_22 = arith.constant 0 : i32
      %dma_wait3A_23 = tpu.memref_slice %arg2[%dma_wait3A_21, %dma_wait3A_22] : memref<10000x128xf32, #tpu.memory_space<hbm>> -> memref<10000x128xf32, #tpu.memory_space<hbm>>
      tpu.wait_indirect_dma semaphore(%arg11 : memref<!tpu.dma_semaphore, #tpu.memory_space<semaphore_mem>>) src(%dma_wait3A_23 : memref<10000x128xf32, #tpu.memory_space<hbm>>) dst(%arg9 : memref<128x128xf32, #tpu.memory_space<vmem>>)
      "tpu.region"() ({
        %run_scoped3A = tpu.sem_alloc : memref<!tpu.dma_semaphore, #tpu.memory_space<semaphore_mem>>
        %dma_start3A_24 = arith.constant 0 : i32
        %dma_start3A_25 = tpu.memref_slice %arg8[%scan3A_13, %dma_start3A_24] : memref<79x128xi32, #tpu.memory_space<vmem>> -> memref<1x128xi32, #tpu.memory_space<vmem>>
        %dma_start3A_26 = tpu.memref_squeeze %dma_start3A_25 : memref<1x128xi32, #tpu.memory_space<vmem>> -> memref<128xi32, #tpu.memory_space<vmem>>
        %dma_start3A_27 = arith.constant 0 : i32
        %dma_start3A_28 = arith.constant 0 : i32
        %dma_start3A_29 = tpu.memref_slice %arg10[%dma_start3A_27, %dma_start3A_28] : memref<10240x128xf32, #tpu.memory_space<vmem_shared>> -> memref<10240x128xf32, #tpu.memory_space<vmem_shared>>
        tpu.enqueue_indirect_dma source(%arg9 : memref<128x128xf32, #tpu.memory_space<vmem>>) target(%dma_start3A_29 : memref<10240x128xf32, #tpu.memory_space<vmem_shared>>) offsets(%dma_start3A_26 : memref<128xi32, #tpu.memory_space<vmem>>) semaphore(%run_scoped3A : memref<!tpu.dma_semaphore, #tpu.memory_space<semaphore_mem>>) {add = true}
        %dma_wait3A_30 = arith.constant 0 : i32
        %dma_wait3A_31 = tpu.memref_slice %arg8[%scan3A_13, %dma_wait3A_30] : memref<79x128xi32, #tpu.memory_space<vmem>> -> memref<1x128xi32, #tpu.memory_space<vmem>>
        %dma_wait3A_32 = tpu.memref_squeeze %dma_wait3A_31 : memref<1x128xi32, #tpu.memory_space<vmem>> -> memref<128xi32, #tpu.memory_space<vmem>>
        %dma_wait3A_33 = arith.constant 0 : i32
        %dma_wait3A_34 = arith.constant 0 : i32
        %dma_wait3A_35 = tpu.memref_slice %arg10[%dma_wait3A_33, %dma_wait3A_34] : memref<10240x128xf32, #tpu.memory_space<vmem_shared>> -> memref<10240x128xf32, #tpu.memory_space<vmem_shared>>
        tpu.wait_indirect_dma semaphore(%run_scoped3A : memref<!tpu.dma_semaphore, #tpu.memory_space<semaphore_mem>>) src(%arg9 : memref<128x128xf32, #tpu.memory_space<vmem>>) dst(%dma_wait3A_35 : memref<10240x128xf32, #tpu.memory_space<vmem_shared>>)
        tpu.yield
      }) : () -> ()
    }
    %scan3A_7 = arith.constant 79 : i32
    %barrier3A_8 = arith.constant 0 : index
    tpu.barrier barrier_id(%barrier3A_8)
    %mul3A_9 = arith.constant 640 : i32
    %mul3A_10 = arith.muli %arg1, %mul3A_9 : i32
    %mul3A_11 = arith.constant 640 : i32
    %mul3A_12 = arith.muli %arg1, %mul3A_11 : i32
    "tpu.region"() ({
      %run_scoped3A = tpu.sem_alloc : memref<!tpu.dma_semaphore, #tpu.memory_space<semaphore_mem>>
      %dma_start3A = arith.constant 0 : i32
      %dma_start3A_13 = tpu.memref_slice %arg6[%arg0, %mul3A_12, %dma_start3A] : memref<2x10240x128xf32, #tpu.memory_space<hbm>> -> memref<1x640x128xf32, #tpu.memory_space<hbm>>
      %dma_start3A_14 = tpu.memref_squeeze %dma_start3A_13 : memref<1x640x128xf32, #tpu.memory_space<hbm>> -> memref<640x128xf32, #tpu.memory_space<hbm>>
      %dma_start3A_15 = arith.constant 0 : i32
      %dma_start3A_16 = tpu.memref_slice %arg10[%mul3A_10, %dma_start3A_15] : memref<10240x128xf32, #tpu.memory_space<vmem_shared>> -> memref<640x128xf32, #tpu.memory_space<vmem_shared>>
      tpu.enqueue_dma source(%dma_start3A_16 : memref<640x128xf32, #tpu.memory_space<vmem_shared>>) target(%dma_start3A_14 : memref<640x128xf32, #tpu.memory_space<hbm>>) target_semaphore(%run_scoped3A : memref<!tpu.dma_semaphore, #tpu.memory_space<semaphore_mem>>)
      %dma_wait3A = arith.constant 0 : i32
      %dma_wait3A_17 = tpu.memref_slice %arg6[%arg0, %mul3A_12, %dma_wait3A] : memref<2x10240x128xf32, #tpu.memory_space<hbm>> -> memref<1x640x128xf32, #tpu.memory_space<hbm>>
      %dma_wait3A_18 = tpu.memref_squeeze %dma_wait3A_17 : memref<1x640x128xf32, #tpu.memory_space<hbm>> -> memref<640x128xf32, #tpu.memory_space<hbm>>
      %dma_wait3A_19 = arith.constant 0 : i32
      %dma_wait3A_20 = tpu.memref_slice %arg10[%mul3A_10, %dma_wait3A_19] : memref<10240x128xf32, #tpu.memory_space<vmem_shared>> -> memref<640x128xf32, #tpu.memory_space<vmem_shared>>
      tpu.wait_dma2 semaphore(%run_scoped3A : memref<!tpu.dma_semaphore, #tpu.memory_space<semaphore_mem>>) src(%dma_wait3A_20 : memref<640x128xf32, #tpu.memory_space<vmem_shared>>) dst(%dma_wait3A_18 : memref<640x128xf32, #tpu.memory_space<hbm>>)
      tpu.yield
    }) : () -> ()
    return
  }
}

module attributes {stable_mosaic.version = 14 : i64} {
  func.func @_stage_body(%arg0: i32, %arg1: memref<2x2000x128xf32, #tpu.memory_space<vmem>>, %arg2: memref<2x2000x128xf32, #tpu.memory_space<vmem>>, %arg3: memref<2000x128xf32, #tpu.memory_space<vmem>>, %arg4: memref<8x128xf32, #tpu.memory_space<vmem>>, %arg5: memref<128x128xf32, #tpu.memory_space<vmem>>, %arg6: memref<128x128xf32, #tpu.memory_space<vmem>>, %arg7: memref<1x128xf32, #tpu.memory_space<vmem>>, %arg8: memref<2000x128xf32, #tpu.memory_space<vmem>>) attributes {dimension_semantics = [#tpu.dimension_semantics<arbitrary>], iteration_bounds = array<i64: 5>, scalar_prefetch = 0 : i64, scratch_operands = 0 : i64, tpu.core_type = #tpu.core_type<tc>, window_params = [{transform_indices = @transform_0, window_bounds = array<i64: 2, 2000, 128>}, {transform_indices = @transform_1, window_bounds = array<i64: 2, 2000, 128>}, {transform_indices = @transform_2, window_bounds = array<i64: 2000, 128>}, {pipeline_mode = #tpu.pipeline_mode<synchronous>, transform_indices = @transform_3, window_bounds = array<i64: 8, 128>}, {pipeline_mode = #tpu.pipeline_mode<synchronous>, transform_indices = @transform_4, window_bounds = array<i64: 128, 128>}, {pipeline_mode = #tpu.pipeline_mode<synchronous>, transform_indices = @transform_5, window_bounds = array<i64: 128, 128>}, {pipeline_mode = #tpu.pipeline_mode<synchronous>, transform_indices = @transform_6, window_bounds = array<i64: 1, 128>}, {transform_indices = @transform_7, window_bounds = array<i64: 2000, 128>}]} {
    %get3A = arith.constant 0 : index
    %get3A_0 = arith.constant 0 : index
    %get3A_1 = vector.load %arg4[%get3A, %get3A_0] : memref<8x128xf32, #tpu.memory_space<vmem>>, vector<8x128xf32>
    %neg3A = arith.constant 0.000000e+00 : f32
    %neg3A_2 = vector.broadcast %neg3A : f32 to vector<8x128xf32>
    %neg3A_3 = arith.subf %neg3A_2, %get3A_1 : vector<8x128xf32>
    %concatenate3A = tpu.concatenate %get3A_1, %neg3A_3 in 0 : vector<8x128xf32>, vector<8x128xf32> -> vector<16x128xf32>
    %get3A_4 = arith.constant 0 : index
    %get3A_5 = arith.constant 0 : index
    %get3A_6 = arith.constant 0 : index
    %get3A_7 = vector.load %arg1[%get3A_4, %get3A_5, %get3A_6] : memref<2x2000x128xf32, #tpu.memory_space<vmem>>, vector<1x2000x128xf32>
    %get3A_8 = vector.shape_cast %get3A_7 : vector<1x2000x128xf32> to vector<2000x128xf32>
    %get3A_9 = arith.constant 1 : index
    %get3A_10 = arith.constant 0 : index
    %get3A_11 = arith.constant 0 : index
    %get3A_12 = vector.load %arg1[%get3A_9, %get3A_10, %get3A_11] : memref<2x2000x128xf32, #tpu.memory_space<vmem>>, vector<1x2000x128xf32>
    %get3A_13 = vector.shape_cast %get3A_12 : vector<1x2000x128xf32> to vector<2000x128xf32>
    %add3A = arith.addf %get3A_8, %get3A_13 : vector<2000x128xf32>
    %get3A_14 = arith.constant 0 : index
    %get3A_15 = arith.constant 0 : index
    %get3A_16 = arith.constant 0 : index
    %get3A_17 = vector.load %arg2[%get3A_14, %get3A_15, %get3A_16] : memref<2x2000x128xf32, #tpu.memory_space<vmem>>, vector<1x2000x128xf32>
    %get3A_18 = vector.shape_cast %get3A_17 : vector<1x2000x128xf32> to vector<2000x128xf32>
    %slice3A = vector.extract_strided_slice %get3A_18 {offsets = [0, 0], sizes = [2000, 16], strides = [1, 1]} : vector<2000x128xf32> to vector<2000x16xf32>
    %get3A_19 = arith.constant 1 : index
    %get3A_20 = arith.constant 0 : index
    %get3A_21 = arith.constant 0 : index
    %get3A_22 = vector.load %arg2[%get3A_19, %get3A_20, %get3A_21] : memref<2x2000x128xf32, #tpu.memory_space<vmem>>, vector<1x2000x128xf32>
    %get3A_23 = vector.shape_cast %get3A_22 : vector<1x2000x128xf32> to vector<2000x128xf32>
    %slice3A_24 = vector.extract_strided_slice %get3A_23 {offsets = [0, 0], sizes = [2000, 16], strides = [1, 1]} : vector<2000x128xf32> to vector<2000x16xf32>
    %add3A_25 = arith.addf %slice3A, %slice3A_24 : vector<2000x16xf32>
    %reduce_sum3A = arith.constant dense<0.000000e+00> : vector<2000xf32>
    %reduce_sum3A_26 = vector.multi_reduction <add>, %add3A_25, %reduce_sum3A [1] : vector<2000x16xf32> to vector<2000xf32>
    %broadcast_in_dim3A = vector.shape_cast %reduce_sum3A_26 : vector<2000xf32> to vector<2000x1xf32>
    %max3A = arith.constant 1.000000e+00 : f32
    %max3A_27 = vector.broadcast %max3A : f32 to vector<2000x1xf32>
    %max3A_28 = arith.maximumf %broadcast_in_dim3A, %max3A_27 : vector<2000x1xf32>
    %dot_general3A = arith.constant dense<0.000000e+00> : vector<2000x128xf32>
    %dot_general3A_29 = tpu.matmul %add3A_25, %concatenate3A, %dot_general3A {dimension_numbers = #tpu.dot_dimension_numbers<[1], [0], [0], [1], [0, 0, 1, 1], [], []>, precision = #tpu.contract_precision<fp32>, transpose_lhs_hint = false} : vector<2000x16xf32>, vector<16x128xf32>, vector<2000x128xf32> -> vector<2000x128xf32>
    %sub3A = arith.subf %add3A, %dot_general3A_29 : vector<2000x128xf32>
    %get3A_30 = arith.constant 0 : index
    %get3A_31 = arith.constant 0 : index
    %get3A_32 = vector.load %arg5[%get3A_30, %get3A_31] : memref<128x128xf32, #tpu.memory_space<vmem>>, vector<128x128xf32>
    %dot_general3A_33 = arith.constant dense<0.000000e+00> : vector<2000x128xf32>
    %dot_general3A_34 = tpu.matmul %sub3A, %get3A_32, %dot_general3A_33 {dimension_numbers = #tpu.dot_dimension_numbers<[1], [0], [0], [1], [0, 0, 1, 1], [], []>, precision = #tpu.contract_precision<fp32>, transpose_lhs_hint = false} : vector<2000x128xf32>, vector<128x128xf32>, vector<2000x128xf32> -> vector<2000x128xf32>
    %div3A = vector.broadcast %max3A_28 : vector<2000x1xf32> to vector<2000x128xf32>
    %div3A_35 = arith.divf %dot_general3A_34, %div3A : vector<2000x128xf32>
    %get3A_36 = arith.constant 0 : index
    %get3A_37 = arith.constant 0 : index
    %get3A_38 = vector.load %arg3[%get3A_36, %get3A_37] : memref<2000x128xf32, #tpu.memory_space<vmem>>, vector<2000x128xf32>
    %get3A_39 = arith.constant 0 : index
    %get3A_40 = arith.constant 0 : index
    %get3A_41 = vector.load %arg7[%get3A_39, %get3A_40] : memref<1x128xf32, #tpu.memory_space<vmem>>, vector<1x128xf32>
    %sub3A_42 = vector.broadcast %get3A_41 : vector<1x128xf32> to vector<2000x128xf32>
    %sub3A_43 = arith.subf %get3A_38, %sub3A_42 : vector<2000x128xf32>
    %get3A_44 = arith.constant 0 : index
    %get3A_45 = arith.constant 0 : index
    %get3A_46 = vector.load %arg6[%get3A_44, %get3A_45] : memref<128x128xf32, #tpu.memory_space<vmem>>, vector<128x128xf32>
    %dot_general3A_47 = arith.constant dense<0.000000e+00> : vector<2000x128xf32>
    %dot_general3A_48 = tpu.matmul %sub3A_43, %get3A_46, %dot_general3A_47 {dimension_numbers = #tpu.dot_dimension_numbers<[1], [0], [0], [1], [0, 0, 1, 1], [], []>, precision = #tpu.contract_precision<fp32>, transpose_lhs_hint = false} : vector<2000x128xf32>, vector<128x128xf32>, vector<2000x128xf32> -> vector<2000x128xf32>
    %add3A_49 = arith.addf %div3A_35, %dot_general3A_48 : vector<2000x128xf32>
    %max3A_50 = arith.constant 0.000000e+00 : f32
    %max3A_51 = vector.broadcast %max3A_50 : f32 to vector<2000x128xf32>
    %max3A_52 = arith.maximumf %add3A_49, %max3A_51 : vector<2000x128xf32>
    %swap3A = arith.constant 0 : index
    %swap3A_53 = arith.constant 0 : index
    %swap3A_54 = vector.load %arg8[%swap3A, %swap3A_53] : memref<2000x128xf32, #tpu.memory_space<vmem>>, vector<2000x128xf32>
    tpu.vector_store %arg8[%swap3A, %swap3A_53], %max3A_52 {strides = array<i32>} : memref<2000x128xf32, #tpu.memory_space<vmem>>, vector<2000x128xf32>,
    return
  }
  func.func @transform_0(%arg0: i32) -> (i32, i32, i32) {
    %c0_i32 = arith.constant 0 : i32
    %c0_i32_0 = arith.constant 0 : i32
    %c0_i32_1 = arith.constant 0 : i32
    return %c0_i32, %arg0, %c0_i32_0 : i32, i32, i32
  }
  func.func @transform_1(%arg0: i32) -> (i32, i32, i32) {
    %c0_i32 = arith.constant 0 : i32
    %c0_i32_0 = arith.constant 0 : i32
    %c0_i32_1 = arith.constant 0 : i32
    return %c0_i32, %arg0, %c0_i32_0 : i32, i32, i32
  }
  func.func @transform_2(%arg0: i32) -> (i32, i32) {
    %c0_i32 = arith.constant 0 : i32
    %c0_i32_0 = arith.constant 0 : i32
    return %arg0, %c0_i32 : i32, i32
  }
  func.func @transform_3(%arg0: i32) -> (i32, i32) {
    %c0_i32 = arith.constant 0 : i32
    %c0_i32_0 = arith.constant 0 : i32
    %c0_i32_1 = arith.constant 0 : i32
    return %c0_i32, %c0_i32_0 : i32, i32
  }
  func.func @transform_4(%arg0: i32) -> (i32, i32) {
    %c0_i32 = arith.constant 0 : i32
    %c0_i32_0 = arith.constant 0 : i32
    %c0_i32_1 = arith.constant 0 : i32
    return %c0_i32, %c0_i32_0 : i32, i32
  }
  func.func @transform_5(%arg0: i32) -> (i32, i32) {
    %c0_i32 = arith.constant 0 : i32
    %c0_i32_0 = arith.constant 0 : i32
    %c0_i32_1 = arith.constant 0 : i32
    return %c0_i32, %c0_i32_0 : i32, i32
  }
  func.func @transform_6(%arg0: i32) -> (i32, i32) {
    %c0_i32 = arith.constant 0 : i32
    %c0_i32_0 = arith.constant 0 : i32
    %c0_i32_1 = arith.constant 0 : i32
    return %c0_i32, %c0_i32_0 : i32, i32
  }
  func.func @transform_7(%arg0: i32) -> (i32, i32) {
    %c0_i32 = arith.constant 0 : i32
    %c0_i32_0 = arith.constant 0 : i32
    return %arg0, %c0_i32 : i32, i32
  }
}

module attributes {stable_mosaic.version = 14 : i64} {
  func.func @_stage_body(%arg0: i32, %arg1: memref<2x2000x128xf32, #tpu.memory_space<vmem>>, %arg2: memref<2x2000x128xf32, #tpu.memory_space<vmem>>, %arg3: memref<2000x128xf32, #tpu.memory_space<vmem>>, %arg4: memref<8x128xf32, #tpu.memory_space<vmem>>, %arg5: memref<128x128xf32, #tpu.memory_space<vmem>>, %arg6: memref<128x128xf32, #tpu.memory_space<vmem>>, %arg7: memref<128x128xf32, #tpu.memory_space<vmem>>, %arg8: memref<1x128xf32, #tpu.memory_space<vmem>>, %arg9: memref<2000x128xf32, #tpu.memory_space<vmem>>) attributes {dimension_semantics = [#tpu.dimension_semantics<arbitrary>], iteration_bounds = array<i64: 5>, scalar_prefetch = 0 : i64, scratch_operands = 0 : i64, tpu.core_type = #tpu.core_type<tc>, window_params = [{transform_indices = @transform_0, window_bounds = array<i64: 2, 2000, 128>}, {transform_indices = @transform_1, window_bounds = array<i64: 2, 2000, 128>}, {transform_indices = @transform_2, window_bounds = array<i64: 2000, 128>}, {pipeline_mode = #tpu.pipeline_mode<synchronous>, transform_indices = @transform_3, window_bounds = array<i64: 8, 128>}, {pipeline_mode = #tpu.pipeline_mode<synchronous>, transform_indices = @transform_4, window_bounds = array<i64: 128, 128>}, {pipeline_mode = #tpu.pipeline_mode<synchronous>, transform_indices = @transform_5, window_bounds = array<i64: 128, 128>}, {pipeline_mode = #tpu.pipeline_mode<synchronous>, transform_indices = @transform_6, window_bounds = array<i64: 128, 128>}, {pipeline_mode = #tpu.pipeline_mode<synchronous>, transform_indices = @transform_7, window_bounds = array<i64: 1, 128>}, {transform_indices = @transform_8, window_bounds = array<i64: 2000, 128>}]} {
    %get3A = arith.constant 0 : index
    %get3A_0 = arith.constant 0 : index
    %get3A_1 = vector.load %arg4[%get3A, %get3A_0] : memref<8x128xf32, #tpu.memory_space<vmem>>, vector<8x128xf32>
    %get3A_2 = arith.constant 0 : index
    %get3A_3 = arith.constant 0 : index
    %get3A_4 = vector.load %arg5[%get3A_2, %get3A_3] : memref<128x128xf32, #tpu.memory_space<vmem>>, vector<128x128xf32>
    %dot_general3A = arith.constant dense<0.000000e+00> : vector<8x128xf32>
    %dot_general3A_5 = tpu.matmul %get3A_1, %get3A_4, %dot_general3A {dimension_numbers = #tpu.dot_dimension_numbers<[1], [0], [0], [1], [0, 0, 1, 1], [], []>, precision = #tpu.contract_precision<fp32>, transpose_lhs_hint = false} : vector<8x128xf32>, vector<128x128xf32>, vector<8x128xf32> -> vector<8x128xf32>
    %neg3A = arith.constant 0.000000e+00 : f32
    %neg3A_6 = vector.broadcast %neg3A : f32 to vector<8x128xf32>
    %neg3A_7 = arith.subf %neg3A_6, %dot_general3A_5 : vector<8x128xf32>
    %concatenate3A = tpu.concatenate %dot_general3A_5, %neg3A_7 in 0 : vector<8x128xf32>, vector<8x128xf32> -> vector<16x128xf32>
    %get3A_8 = arith.constant 0 : index
    %get3A_9 = arith.constant 0 : index
    %get3A_10 = arith.constant 0 : index
    %get3A_11 = vector.load %arg1[%get3A_8, %get3A_9, %get3A_10] : memref<2x2000x128xf32, #tpu.memory_space<vmem>>, vector<1x2000x128xf32>
    %get3A_12 = vector.shape_cast %get3A_11 : vector<1x2000x128xf32> to vector<2000x128xf32>
    %get3A_13 = arith.constant 1 : index
    %get3A_14 = arith.constant 0 : index
    %get3A_15 = arith.constant 0 : index
    %get3A_16 = vector.load %arg1[%get3A_13, %get3A_14, %get3A_15] : memref<2x2000x128xf32, #tpu.memory_space<vmem>>, vector<1x2000x128xf32>
    %get3A_17 = vector.shape_cast %get3A_16 : vector<1x2000x128xf32> to vector<2000x128xf32>
    %add3A = arith.addf %get3A_12, %get3A_17 : vector<2000x128xf32>
    %get3A_18 = arith.constant 0 : index
    %get3A_19 = arith.constant 0 : index
    %get3A_20 = arith.constant 0 : index
    %get3A_21 = vector.load %arg2[%get3A_18, %get3A_19, %get3A_20] : memref<2x2000x128xf32, #tpu.memory_space<vmem>>, vector<1x2000x128xf32>
    %get3A_22 = vector.shape_cast %get3A_21 : vector<1x2000x128xf32> to vector<2000x128xf32>
    %slice3A = vector.extract_strided_slice %get3A_22 {offsets = [0, 0], sizes = [2000, 16], strides = [1, 1]} : vector<2000x128xf32> to vector<2000x16xf32>
    %get3A_23 = arith.constant 1 : index
    %get3A_24 = arith.constant 0 : index
    %get3A_25 = arith.constant 0 : index
    %get3A_26 = vector.load %arg2[%get3A_23, %get3A_24, %get3A_25] : memref<2x2000x128xf32, #tpu.memory_space<vmem>>, vector<1x2000x128xf32>
    %get3A_27 = vector.shape_cast %get3A_26 : vector<1x2000x128xf32> to vector<2000x128xf32>
    %slice3A_28 = vector.extract_strided_slice %get3A_27 {offsets = [0, 0], sizes = [2000, 16], strides = [1, 1]} : vector<2000x128xf32> to vector<2000x16xf32>
    %add3A_29 = arith.addf %slice3A, %slice3A_28 : vector<2000x16xf32>
    %reduce_sum3A = arith.constant dense<0.000000e+00> : vector<2000xf32>
    %reduce_sum3A_30 = vector.multi_reduction <add>, %add3A_29, %reduce_sum3A [1] : vector<2000x16xf32> to vector<2000xf32>
    %broadcast_in_dim3A = vector.shape_cast %reduce_sum3A_30 : vector<2000xf32> to vector<2000x1xf32>
    %max3A = arith.constant 1.000000e+00 : f32
    %max3A_31 = vector.broadcast %max3A : f32 to vector<2000x1xf32>
    %max3A_32 = arith.maximumf %broadcast_in_dim3A, %max3A_31 : vector<2000x1xf32>
    %dot_general3A_33 = arith.constant dense<0.000000e+00> : vector<2000x128xf32>
    %dot_general3A_34 = tpu.matmul %add3A_29, %concatenate3A, %dot_general3A_33 {dimension_numbers = #tpu.dot_dimension_numbers<[1], [0], [0], [1], [0, 0, 1, 1], [], []>, precision = #tpu.contract_precision<fp32>, transpose_lhs_hint = false} : vector<2000x16xf32>, vector<16x128xf32>, vector<2000x128xf32> -> vector<2000x128xf32>
    %sub3A = arith.subf %add3A, %dot_general3A_34 : vector<2000x128xf32>
    %get3A_35 = arith.constant 0 : index
    %get3A_36 = arith.constant 0 : index
    %get3A_37 = vector.load %arg6[%get3A_35, %get3A_36] : memref<128x128xf32, #tpu.memory_space<vmem>>, vector<128x128xf32>
    %dot_general3A_38 = arith.constant dense<0.000000e+00> : vector<2000x128xf32>
    %dot_general3A_39 = tpu.matmul %sub3A, %get3A_37, %dot_general3A_38 {dimension_numbers = #tpu.dot_dimension_numbers<[1], [0], [0], [1], [0, 0, 1, 1], [], []>, precision = #tpu.contract_precision<fp32>, transpose_lhs_hint = false} : vector<2000x128xf32>, vector<128x128xf32>, vector<2000x128xf32> -> vector<2000x128xf32>
    %div3A = vector.broadcast %max3A_32 : vector<2000x1xf32> to vector<2000x128xf32>
    %div3A_40 = arith.divf %dot_general3A_39, %div3A : vector<2000x128xf32>
    %get3A_41 = arith.constant 0 : index
    %get3A_42 = arith.constant 0 : index
    %get3A_43 = vector.load %arg3[%get3A_41, %get3A_42] : memref<2000x128xf32, #tpu.memory_space<vmem>>, vector<2000x128xf32>
    %get3A_44 = arith.constant 0 : index
    %get3A_45 = arith.constant 0 : index
    %get3A_46 = vector.load %arg8[%get3A_44, %get3A_45] : memref<1x128xf32, #tpu.memory_space<vmem>>, vector<1x128xf32>
    %sub3A_47 = vector.broadcast %get3A_46 : vector<1x128xf32> to vector<2000x128xf32>
    %sub3A_48 = arith.subf %get3A_43, %sub3A_47 : vector<2000x128xf32>
    %get3A_49 = arith.constant 0 : index
    %get3A_50 = arith.constant 0 : index
    %get3A_51 = vector.load %arg7[%get3A_49, %get3A_50] : memref<128x128xf32, #tpu.memory_space<vmem>>, vector<128x128xf32>
    %dot_general3A_52 = arith.constant dense<0.000000e+00> : vector<2000x128xf32>
    %dot_general3A_53 = tpu.matmul %sub3A_48, %get3A_51, %dot_general3A_52 {dimension_numbers = #tpu.dot_dimension_numbers<[1], [0], [0], [1], [0, 0, 1, 1], [], []>, precision = #tpu.contract_precision<fp32>, transpose_lhs_hint = false} : vector<2000x128xf32>, vector<128x128xf32>, vector<2000x128xf32> -> vector<2000x128xf32>
    %add3A_54 = arith.addf %div3A_40, %dot_general3A_53 : vector<2000x128xf32>
    %max3A_55 = arith.constant 0.000000e+00 : f32
    %max3A_56 = vector.broadcast %max3A_55 : f32 to vector<2000x128xf32>
    %max3A_57 = arith.maximumf %add3A_54, %max3A_56 : vector<2000x128xf32>
    %swap3A = arith.constant 0 : index
    %swap3A_58 = arith.constant 0 : index
    %swap3A_59 = vector.load %arg9[%swap3A, %swap3A_58] : memref<2000x128xf32, #tpu.memory_space<vmem>>, vector<2000x128xf32>
    tpu.vector_store %arg9[%swap3A, %swap3A_58], %max3A_57 {strides = array<i32>} : memref<2000x128xf32, #tpu.memory_space<vmem>>, vector<2000x128xf32>,
    return
  }
  func.func @transform_0(%arg0: i32) -> (i32, i32, i32) {
    %c0_i32 = arith.constant 0 : i32
    %c0_i32_0 = arith.constant 0 : i32
    %c0_i32_1 = arith.constant 0 : i32
    return %c0_i32, %arg0, %c0_i32_0 : i32, i32, i32
  }
  func.func @transform_1(%arg0: i32) -> (i32, i32, i32) {
    %c0_i32 = arith.constant 0 : i32
    %c0_i32_0 = arith.constant 0 : i32
    %c0_i32_1 = arith.constant 0 : i32
    return %c0_i32, %arg0, %c0_i32_0 : i32, i32, i32
  }
  func.func @transform_2(%arg0: i32) -> (i32, i32) {
    %c0_i32 = arith.constant 0 : i32
    %c0_i32_0 = arith.constant 0 : i32
    return %arg0, %c0_i32 : i32, i32
  }
  func.func @transform_3(%arg0: i32) -> (i32, i32) {
    %c0_i32 = arith.constant 0 : i32
    %c0_i32_0 = arith.constant 0 : i32
    %c0_i32_1 = arith.constant 0 : i32
    return %c0_i32, %c0_i32_0 : i32, i32
  }
  func.func @transform_4(%arg0: i32) -> (i32, i32) {
    %c0_i32 = arith.constant 0 : i32
    %c0_i32_0 = arith.constant 0 : i32
    %c0_i32_1 = arith.constant 0 : i32
    return %c0_i32, %c0_i32_0 : i32, i32
  }
  func.func @transform_5(%arg0: i32) -> (i32, i32) {
    %c0_i32 = arith.constant 0 : i32
    %c0_i32_0 = arith.constant 0 : i32
    %c0_i32_1 = arith.constant 0 : i32
    return %c0_i32, %c0_i32_0 : i32, i32
  }
  func.func @transform_6(%arg0: i32) -> (i32, i32) {
    %c0_i32 = arith.constant 0 : i32
    %c0_i32_0 = arith.constant 0 : i32
    %c0_i32_1 = arith.constant 0 : i32
    return %c0_i32, %c0_i32_0 : i32, i32
  }
  func.func @transform_7(%arg0: i32) -> (i32, i32) {
    %c0_i32 = arith.constant 0 : i32
    %c0_i32_0 = arith.constant 0 : i32
    %c0_i32_1 = arith.constant 0 : i32
    return %c0_i32, %c0_i32_0 : i32, i32
  }
  func.func @transform_8(%arg0: i32) -> (i32, i32) {
    %c0_i32 = arith.constant 0 : i32
    %c0_i32_0 = arith.constant 0 : i32
    return %arg0, %c0_i32 : i32, i32
  }
}

module attributes {stable_mosaic.version = 14 : i64} {
  func.func @_stage_body(%arg0: i32, %arg1: memref<2x2000x128xf32, #tpu.memory_space<vmem>>, %arg2: memref<2x2000x128xf32, #tpu.memory_space<vmem>>, %arg3: memref<2000x128xf32, #tpu.memory_space<vmem>>, %arg4: memref<8x128xf32, #tpu.memory_space<vmem>>, %arg5: memref<128x128xf32, #tpu.memory_space<vmem>>, %arg6: memref<128x128xf32, #tpu.memory_space<vmem>>, %arg7: memref<128x128xf32, #tpu.memory_space<vmem>>, %arg8: memref<128x128xf32, #tpu.memory_space<vmem>>, %arg9: memref<1x128xf32, #tpu.memory_space<vmem>>, %arg10: memref<2000x128xf32, #tpu.memory_space<vmem>>) attributes {dimension_semantics = [#tpu.dimension_semantics<arbitrary>], iteration_bounds = array<i64: 5>, scalar_prefetch = 0 : i64, scratch_operands = 0 : i64, tpu.core_type = #tpu.core_type<tc>, window_params = [{transform_indices = @transform_0, window_bounds = array<i64: 2, 2000, 128>}, {transform_indices = @transform_1, window_bounds = array<i64: 2, 2000, 128>}, {transform_indices = @transform_2, window_bounds = array<i64: 2000, 128>}, {pipeline_mode = #tpu.pipeline_mode<synchronous>, transform_indices = @transform_3, window_bounds = array<i64: 8, 128>}, {pipeline_mode = #tpu.pipeline_mode<synchronous>, transform_indices = @transform_4, window_bounds = array<i64: 128, 128>}, {pipeline_mode = #tpu.pipeline_mode<synchronous>, transform_indices = @transform_5, window_bounds = array<i64: 128, 128>}, {pipeline_mode = #tpu.pipeline_mode<synchronous>, transform_indices = @transform_6, window_bounds = array<i64: 128, 128>}, {pipeline_mode = #tpu.pipeline_mode<synchronous>, transform_indices = @transform_7, window_bounds = array<i64: 128, 128>}, {pipeline_mode = #tpu.pipeline_mode<synchronous>, transform_indices = @transform_8, window_bounds = array<i64: 1, 128>}, {transform_indices = @transform_9, window_bounds = array<i64: 2000, 128>}]} {
    %get3A = arith.constant 0 : index
    %get3A_0 = arith.constant 0 : index
    %get3A_1 = vector.load %arg4[%get3A, %get3A_0] : memref<8x128xf32, #tpu.memory_space<vmem>>, vector<8x128xf32>
    %get3A_2 = arith.constant 0 : index
    %get3A_3 = arith.constant 0 : index
    %get3A_4 = vector.load %arg5[%get3A_2, %get3A_3] : memref<128x128xf32, #tpu.memory_space<vmem>>, vector<128x128xf32>
    %dot_general3A = arith.constant dense<0.000000e+00> : vector<8x128xf32>
    %dot_general3A_5 = tpu.matmul %get3A_1, %get3A_4, %dot_general3A {dimension_numbers = #tpu.dot_dimension_numbers<[1], [0], [0], [1], [0, 0, 1, 1], [], []>, precision = #tpu.contract_precision<fp32>, transpose_lhs_hint = false} : vector<8x128xf32>, vector<128x128xf32>, vector<8x128xf32> -> vector<8x128xf32>
    %get3A_6 = arith.constant 0 : index
    %get3A_7 = arith.constant 0 : index
    %get3A_8 = vector.load %arg6[%get3A_6, %get3A_7] : memref<128x128xf32, #tpu.memory_space<vmem>>, vector<128x128xf32>
    %dot_general3A_9 = arith.constant dense<0.000000e+00> : vector<8x128xf32>
    %dot_general3A_10 = tpu.matmul %dot_general3A_5, %get3A_8, %dot_general3A_9 {dimension_numbers = #tpu.dot_dimension_numbers<[1], [0], [0], [1], [0, 0, 1, 1], [], []>, precision = #tpu.contract_precision<fp32>, transpose_lhs_hint = false} : vector<8x128xf32>, vector<128x128xf32>, vector<8x128xf32> -> vector<8x128xf32>
    %neg3A = arith.constant 0.000000e+00 : f32
    %neg3A_11 = vector.broadcast %neg3A : f32 to vector<8x128xf32>
    %neg3A_12 = arith.subf %neg3A_11, %dot_general3A_10 : vector<8x128xf32>
    %concatenate3A = tpu.concatenate %dot_general3A_10, %neg3A_12 in 0 : vector<8x128xf32>, vector<8x128xf32> -> vector<16x128xf32>
    %get3A_13 = arith.constant 0 : index
    %get3A_14 = arith.constant 0 : index
    %get3A_15 = arith.constant 0 : index
    %get3A_16 = vector.load %arg1[%get3A_13, %get3A_14, %get3A_15] : memref<2x2000x128xf32, #tpu.memory_space<vmem>>, vector<1x2000x128xf32>
    %get3A_17 = vector.shape_cast %get3A_16 : vector<1x2000x128xf32> to vector<2000x128xf32>
    %get3A_18 = arith.constant 1 : index
    %get3A_19 = arith.constant 0 : index
    %get3A_20 = arith.constant 0 : index
    %get3A_21 = vector.load %arg1[%get3A_18, %get3A_19, %get3A_20] : memref<2x2000x128xf32, #tpu.memory_space<vmem>>, vector<1x2000x128xf32>
    %get3A_22 = vector.shape_cast %get3A_21 : vector<1x2000x128xf32> to vector<2000x128xf32>
    %add3A = arith.addf %get3A_17, %get3A_22 : vector<2000x128xf32>
    %get3A_23 = arith.constant 0 : index
    %get3A_24 = arith.constant 0 : index
    %get3A_25 = arith.constant 0 : index
    %get3A_26 = vector.load %arg2[%get3A_23, %get3A_24, %get3A_25] : memref<2x2000x128xf32, #tpu.memory_space<vmem>>, vector<1x2000x128xf32>
    %get3A_27 = vector.shape_cast %get3A_26 : vector<1x2000x128xf32> to vector<2000x128xf32>
    %slice3A = vector.extract_strided_slice %get3A_27 {offsets = [0, 0], sizes = [2000, 16], strides = [1, 1]} : vector<2000x128xf32> to vector<2000x16xf32>
    %get3A_28 = arith.constant 1 : index
    %get3A_29 = arith.constant 0 : index
    %get3A_30 = arith.constant 0 : index
    %get3A_31 = vector.load %arg2[%get3A_28, %get3A_29, %get3A_30] : memref<2x2000x128xf32, #tpu.memory_space<vmem>>, vector<1x2000x128xf32>
    %get3A_32 = vector.shape_cast %get3A_31 : vector<1x2000x128xf32> to vector<2000x128xf32>
    %slice3A_33 = vector.extract_strided_slice %get3A_32 {offsets = [0, 0], sizes = [2000, 16], strides = [1, 1]} : vector<2000x128xf32> to vector<2000x16xf32>
    %add3A_34 = arith.addf %slice3A, %slice3A_33 : vector<2000x16xf32>
    %reduce_sum3A = arith.constant dense<0.000000e+00> : vector<2000xf32>
    %reduce_sum3A_35 = vector.multi_reduction <add>, %add3A_34, %reduce_sum3A [1] : vector<2000x16xf32> to vector<2000xf32>
    %broadcast_in_dim3A = vector.shape_cast %reduce_sum3A_35 : vector<2000xf32> to vector<2000x1xf32>
    %max3A = arith.constant 1.000000e+00 : f32
    %max3A_36 = vector.broadcast %max3A : f32 to vector<2000x1xf32>
    %max3A_37 = arith.maximumf %broadcast_in_dim3A, %max3A_36 : vector<2000x1xf32>
    %dot_general3A_38 = arith.constant dense<0.000000e+00> : vector<2000x128xf32>
    %dot_general3A_39 = tpu.matmul %add3A_34, %concatenate3A, %dot_general3A_38 {dimension_numbers = #tpu.dot_dimension_numbers<[1], [0], [0], [1], [0, 0, 1, 1], [], []>, precision = #tpu.contract_precision<fp32>, transpose_lhs_hint = false} : vector<2000x16xf32>, vector<16x128xf32>, vector<2000x128xf32> -> vector<2000x128xf32>
    %sub3A = arith.subf %add3A, %dot_general3A_39 : vector<2000x128xf32>
    %get3A_40 = arith.constant 0 : index
    %get3A_41 = arith.constant 0 : index
    %get3A_42 = vector.load %arg7[%get3A_40, %get3A_41] : memref<128x128xf32, #tpu.memory_space<vmem>>, vector<128x128xf32>
    %dot_general3A_43 = arith.constant dense<0.000000e+00> : vector<2000x128xf32>
    %dot_general3A_44 = tpu.matmul %sub3A, %get3A_42, %dot_general3A_43 {dimension_numbers = #tpu.dot_dimension_numbers<[1], [0], [0], [1], [0, 0, 1, 1], [], []>, precision = #tpu.contract_precision<fp32>, transpose_lhs_hint = false} : vector<2000x128xf32>, vector<128x128xf32>, vector<2000x128xf32> -> vector<2000x128xf32>
    %div3A = vector.broadcast %max3A_37 : vector<2000x1xf32> to vector<2000x128xf32>
    %div3A_45 = arith.divf %dot_general3A_44, %div3A : vector<2000x128xf32>
    %get3A_46 = arith.constant 0 : index
    %get3A_47 = arith.constant 0 : index
    %get3A_48 = vector.load %arg3[%get3A_46, %get3A_47] : memref<2000x128xf32, #tpu.memory_space<vmem>>, vector<2000x128xf32>
    %get3A_49 = arith.constant 0 : index
    %get3A_50 = arith.constant 0 : index
    %get3A_51 = vector.load %arg9[%get3A_49, %get3A_50] : memref<1x128xf32, #tpu.memory_space<vmem>>, vector<1x128xf32>
    %sub3A_52 = vector.broadcast %get3A_51 : vector<1x128xf32> to vector<2000x128xf32>
    %sub3A_53 = arith.subf %get3A_48, %sub3A_52 : vector<2000x128xf32>
    %get3A_54 = arith.constant 0 : index
    %get3A_55 = arith.constant 0 : index
    %get3A_56 = vector.load %arg8[%get3A_54, %get3A_55] : memref<128x128xf32, #tpu.memory_space<vmem>>, vector<128x128xf32>
    %dot_general3A_57 = arith.constant dense<0.000000e+00> : vector<2000x128xf32>
    %dot_general3A_58 = tpu.matmul %sub3A_53, %get3A_56, %dot_general3A_57 {dimension_numbers = #tpu.dot_dimension_numbers<[1], [0], [0], [1], [0, 0, 1, 1], [], []>, precision = #tpu.contract_precision<fp32>, transpose_lhs_hint = false} : vector<2000x128xf32>, vector<128x128xf32>, vector<2000x128xf32> -> vector<2000x128xf32>
    %add3A_59 = arith.addf %div3A_45, %dot_general3A_58 : vector<2000x128xf32>
    %swap3A = arith.constant 0 : index
    %swap3A_60 = arith.constant 0 : index
    %swap3A_61 = vector.load %arg10[%swap3A, %swap3A_60] : memref<2000x128xf32, #tpu.memory_space<vmem>>, vector<2000x128xf32>
    tpu.vector_store %arg10[%swap3A, %swap3A_60], %add3A_59 {strides = array<i32>} : memref<2000x128xf32, #tpu.memory_space<vmem>>, vector<2000x128xf32>,
    return
  }
  func.func @transform_0(%arg0: i32) -> (i32, i32, i32) {
    %c0_i32 = arith.constant 0 : i32
    %c0_i32_0 = arith.constant 0 : i32
    %c0_i32_1 = arith.constant 0 : i32
    return %c0_i32, %arg0, %c0_i32_0 : i32, i32, i32
  }
  func.func @transform_1(%arg0: i32) -> (i32, i32, i32) {
    %c0_i32 = arith.constant 0 : i32
    %c0_i32_0 = arith.constant 0 : i32
    %c0_i32_1 = arith.constant 0 : i32
    return %c0_i32, %arg0, %c0_i32_0 : i32, i32, i32
  }
  func.func @transform_2(%arg0: i32) -> (i32, i32) {
    %c0_i32 = arith.constant 0 : i32
    %c0_i32_0 = arith.constant 0 : i32
    return %arg0, %c0_i32 : i32, i32
  }
  func.func @transform_3(%arg0: i32) -> (i32, i32) {
    %c0_i32 = arith.constant 0 : i32
    %c0_i32_0 = arith.constant 0 : i32
    %c0_i32_1 = arith.constant 0 : i32
    return %c0_i32, %c0_i32_0 : i32, i32
  }
  func.func @transform_4(%arg0: i32) -> (i32, i32) {
    %c0_i32 = arith.constant 0 : i32
    %c0_i32_0 = arith.constant 0 : i32
    %c0_i32_1 = arith.constant 0 : i32
    return %c0_i32, %c0_i32_0 : i32, i32
  }
  func.func @transform_5(%arg0: i32) -> (i32, i32) {
    %c0_i32 = arith.constant 0 : i32
    %c0_i32_0 = arith.constant 0 : i32
    %c0_i32_1 = arith.constant 0 : i32
    return %c0_i32, %c0_i32_0 : i32, i32
  }
  func.func @transform_6(%arg0: i32) -> (i32, i32) {
    %c0_i32 = arith.constant 0 : i32
    %c0_i32_0 = arith.constant 0 : i32
    %c0_i32_1 = arith.constant 0 : i32
    return %c0_i32, %c0_i32_0 : i32, i32
  }
  func.func @transform_7(%arg0: i32) -> (i32, i32) {
    %c0_i32 = arith.constant 0 : i32
    %c0_i32_0 = arith.constant 0 : i32
    %c0_i32_1 = arith.constant 0 : i32
    return %c0_i32, %c0_i32_0 : i32, i32
  }
  func.func @transform_8(%arg0: i32) -> (i32, i32) {
    %c0_i32 = arith.constant 0 : i32
    %c0_i32_0 = arith.constant 0 : i32
    %c0_i32_1 = arith.constant 0 : i32
    return %c0_i32, %c0_i32_0 : i32, i32
  }
  func.func @transform_9(%arg0: i32) -> (i32, i32) {
    %c0_i32 = arith.constant 0 : i32
    %c0_i32_0 = arith.constant 0 : i32
    return %arg0, %c0_i32 : i32, i32
  }
}

module attributes {stable_mosaic.version = 14 : i64} {
  func.func @_pool_body(%arg0: i32, %arg1: memref<2000x128xf32, #tpu.memory_space<vmem>>, %arg2: memref<1x1x2000xi32, #tpu.memory_space<vmem>>, %arg3: memref<1x128xi32, #tpu.memory_space<vmem>>, %arg4: memref<16x128xf32, #tpu.memory_space<vmem>>, %arg5: memref<256x128xf32, #tpu.memory_space<vmem>>, %arg6: memref<1x128xf32, #tpu.memory_space<vmem>>, %arg7: memref<128x128xf32, #tpu.memory_space<vmem>>, %arg8: memref<128x128xf32, #tpu.memory_space<vmem>>, %arg9: memref<128x8xf32, #tpu.memory_space<vmem>>) attributes {dimension_semantics = [#tpu.dimension_semantics<arbitrary>], iteration_bounds = array<i64: 5>, scalar_prefetch = 0 : i64, scratch_operands = 2 : i64, tpu.core_type = #tpu.core_type<tc>, window_params = [{transform_indices = @transform_0, window_bounds = array<i64: 2000, 128>}, {transform_indices = @transform_1, window_bounds = array<i64: 1, 1, 2000>}, {pipeline_mode = #tpu.pipeline_mode<synchronous>, transform_indices = @transform_2, window_bounds = array<i64: 1, 128>}, {pipeline_mode = #tpu.pipeline_mode<synchronous>, transform_indices = @transform_3, window_bounds = array<i64: 16, 128>}, {pipeline_mode = #tpu.pipeline_mode<synchronous>, transform_indices = @transform_4, window_bounds = array<i64: 256, 128>}, {pipeline_mode = #tpu.pipeline_mode<synchronous>, transform_indices = @transform_5, window_bounds = array<i64: 1, 128>}, {pipeline_mode = #tpu.pipeline_mode<synchronous>, transform_indices = @transform_6, window_bounds = array<i64: 128, 128>}]} {
    %eq3A = arith.constant 0 : i32
    %eq3A_0 = arith.cmpi eq, %arg0, %eq3A : i32
    %convert_element_type3A = arith.extui %eq3A_0 : i1 to i32
    %cond3A = arith.constant 0 : i32
    %cond3A_1 = arith.cmpi ne, %convert_element_type3A, %cond3A : i32
    scf.if %cond3A_1 {
      %broadcast_in_dim3A_33 = arith.constant 0.000000e+00 : f32
      %broadcast_in_dim3A_34 = vector.broadcast %broadcast_in_dim3A_33 : f32 to vector<128x128xf32>
      %swap3A_35 = arith.constant 0 : index
      %swap3A_36 = arith.constant 0 : index
      %swap3A_37 = vector.load %arg8[%swap3A_35, %swap3A_36] : memref<128x128xf32, #tpu.memory_space<vmem>>, vector<128x128xf32>
      tpu.vector_store %arg8[%swap3A_35, %swap3A_36], %broadcast_in_dim3A_34 {strides = array<i32>} : memref<128x128xf32, #tpu.memory_space<vmem>>, vector<128x128xf32>,
      %broadcast_in_dim3A_38 = arith.constant 0.000000e+00 : f32
      %broadcast_in_dim3A_39 = vector.broadcast %broadcast_in_dim3A_38 : f32 to vector<128x8xf32>
      %swap3A_40 = arith.constant 0 : index
      %swap3A_41 = arith.constant 0 : index
      %swap3A_42 = vector.load %arg9[%swap3A_40, %swap3A_41] : memref<128x8xf32, #tpu.memory_space<vmem>>, vector<128x8xf32>
      tpu.vector_store %arg9[%swap3A_40, %swap3A_41], %broadcast_in_dim3A_39 {strides = array<i32>} : memref<128x8xf32, #tpu.memory_space<vmem>>, vector<128x8xf32>,
    } else {
    }
    %get3A = arith.constant 0 : index
    %get3A_2 = arith.constant 0 : index
    %get3A_3 = arith.constant 0 : index
    %get3A_4 = vector.load %arg2[%get3A, %get3A_2, %get3A_3] : memref<1x1x2000xi32, #tpu.memory_space<vmem>>, vector<1x1x2000xi32>
    %get3A_5 = vector.shape_cast %get3A_4 : vector<1x1x2000xi32> to vector<1x2000xi32>
    %broadcast_in_dim3A = vector.shape_cast %get3A_5 : vector<1x2000xi32> to vector<1x2000xi32>
    %broadcast_in_dim3A_6 = vector.broadcast %broadcast_in_dim3A : vector<1x2000xi32> to vector<128x2000xi32>
    %iota3A = tpu.iota {dimensions = array<i32: 0>} : vector<128x2000xi32>
    %eq3A_7 = arith.cmpi eq, %broadcast_in_dim3A_6, %iota3A : vector<128x2000xi32>
    %convert_element_type3A_8 = arith.extui %eq3A_7 : vector<128x2000xi1> to vector<128x2000xi32>
    %convert_element_type3A_9 = arith.sitofp %convert_element_type3A_8 : vector<128x2000xi32> to vector<128x2000xf32>
    %get3A_10 = arith.constant 0 : index
    %get3A_11 = arith.constant 0 : index
    %get3A_12 = vector.load %arg8[%get3A_10, %get3A_11] : memref<128x128xf32, #tpu.memory_space<vmem>>, vector<128x128xf32>
    %get3A_13 = arith.constant 0 : index
    %get3A_14 = arith.constant 0 : index
    %get3A_15 = vector.load %arg1[%get3A_13, %get3A_14] : memref<2000x128xf32, #tpu.memory_space<vmem>>, vector<2000x128xf32>
    %dot_general3A = arith.constant dense<0.000000e+00> : vector<128x128xf32>
    %dot_general3A_16 = tpu.matmul %convert_element_type3A_9, %get3A_15, %dot_general3A {dimension_numbers = #tpu.dot_dimension_numbers<[1], [0], [0], [1], [0, 0, 1, 1], [], []>, precision = #tpu.contract_precision<fp32>, transpose_lhs_hint = false} : vector<128x2000xf32>, vector<2000x128xf32>, vector<128x128xf32> -> vector<128x128xf32>
    %add3A = arith.addf %get3A_12, %dot_general3A_16 : vector<128x128xf32>
    %swap3A = arith.constant 0 : index
    %swap3A_17 = arith.constant 0 : index
    %swap3A_18 = vector.load %arg8[%swap3A, %swap3A_17] : memref<128x128xf32, #tpu.memory_space<vmem>>, vector<128x128xf32>
    tpu.vector_store %arg8[%swap3A, %swap3A_17], %add3A {strides = array<i32>} : memref<128x128xf32, #tpu.memory_space<vmem>>, vector<128x128xf32>,
    %get3A_19 = arith.constant 0 : index
    %get3A_20 = arith.constant 0 : index
    %get3A_21 = vector.load %arg9[%get3A_19, %get3A_20] : memref<128x8xf32, #tpu.memory_space<vmem>>, vector<128x1xf32>
    %reduce_sum3A = arith.constant dense<0.000000e+00> : vector<128xf32>
    %reduce_sum3A_22 = vector.multi_reduction <add>, %convert_element_type3A_9, %reduce_sum3A [1] : vector<128x2000xf32> to vector<128xf32>
    %broadcast_in_dim3A_23 = vector.shape_cast %reduce_sum3A_22 : vector<128xf32> to vector<128x1xf32>
    %add3A_24 = arith.addf %get3A_21, %broadcast_in_dim3A_23 : vector<128x1xf32>
    %swap3A_25 = arith.constant 0 : index
    %swap3A_26 = arith.constant 0 : index
    %swap3A_27 = vector.load %arg9[%swap3A_25, %swap3A_26] : memref<128x8xf32, #tpu.memory_space<vmem>>, vector<128x1xf32>
    tpu.vector_store %arg9[%swap3A_25, %swap3A_26], %add3A_24 {strides = array<i32>} : memref<128x8xf32, #tpu.memory_space<vmem>>, vector<128x1xf32>,
    %eq3A_28 = arith.constant 4 : i32
    %eq3A_29 = arith.cmpi eq, %arg0, %eq3A_28 : i32
    %convert_element_type3A_30 = arith.extui %eq3A_29 : i1 to i32
    %cond3A_31 = arith.constant 0 : i32
    %cond3A_32 = arith.cmpi ne, %convert_element_type3A_30, %cond3A_31 : i32
    scf.if %cond3A_32 {
      %get3A_33 = arith.constant 0 : index
      %get3A_34 = arith.constant 0 : index
      %get3A_35 = vector.load %arg9[%get3A_33, %get3A_34] : memref<128x8xf32, #tpu.memory_space<vmem>>, vector<128x1xf32>
      %max3A = arith.constant 1.000000e+00 : f32
      %max3A_36 = vector.broadcast %max3A : f32 to vector<128x1xf32>
      %max3A_37 = arith.maximumf %get3A_35, %max3A_36 : vector<128x1xf32>
      %get3A_38 = arith.constant 0 : index
      %get3A_39 = arith.constant 0 : index
      %get3A_40 = vector.load %arg8[%get3A_38, %get3A_39] : memref<128x128xf32, #tpu.memory_space<vmem>>, vector<128x128xf32>
      %div3A = vector.broadcast %max3A_37 : vector<128x1xf32> to vector<128x128xf32>
      %div3A_41 = arith.divf %get3A_40, %div3A : vector<128x128xf32>
      %get3A_42 = arith.constant 0 : index
      %get3A_43 = arith.constant 0 : index
      %get3A_44 = vector.load %arg3[%get3A_42, %get3A_43] : memref<1x128xi32, #tpu.memory_space<vmem>>, vector<1x128xi32>
      %broadcast_in_dim3A_45 = vector.shape_cast %get3A_44 : vector<1x128xi32> to vector<1x128xi32>
      %broadcast_in_dim3A_46 = vector.broadcast %broadcast_in_dim3A_45 : vector<1x128xi32> to vector<16x128xi32>
      %iota3A_47 = tpu.iota {dimensions = array<i32: 0>} : vector<16x128xi32>
      %eq3A_48 = arith.cmpi eq, %broadcast_in_dim3A_46, %iota3A_47 : vector<16x128xi32>
      %convert_element_type3A_49 = arith.extui %eq3A_48 : vector<16x128xi1> to vector<16x128xi32>
      %convert_element_type3A_50 = arith.sitofp %convert_element_type3A_49 : vector<16x128xi32> to vector<16x128xf32>
      %get3A_51 = arith.constant 0 : index
      %get3A_52 = arith.constant 0 : index
      %get3A_53 = vector.load %arg4[%get3A_51, %get3A_52] : memref<16x128xf32, #tpu.memory_space<vmem>>, vector<16x128xf32>
      %dot_general3A_54 = arith.constant dense<0.000000e+00> : vector<128x128xf32>
      %dot_general3A_55 = tpu.matmul %convert_element_type3A_50, %get3A_53, %dot_general3A_54 {dimension_numbers = #tpu.dot_dimension_numbers<[0], [0], [1], [1], [0, 1, 1, 1], [], []>, precision = #tpu.contract_precision<fp32>, transpose_lhs_hint = false} : vector<16x128xf32>, vector<16x128xf32>, vector<128x128xf32> -> vector<128x128xf32>
      %get3A_56 = arith.constant 0 : index
      %get3A_57 = arith.constant 0 : index
      %get3A_58 = vector.load %arg5[%get3A_56, %get3A_57] : memref<256x128xf32, #tpu.memory_space<vmem>>, vector<128x128xf32>
      %dot_general3A_59 = arith.constant dense<0.000000e+00> : vector<128x128xf32>
      %dot_general3A_60 = tpu.matmul %div3A_41, %get3A_58, %dot_general3A_59 {dimension_numbers = #tpu.dot_dimension_numbers<[1], [0], [0], [1], [0, 0, 1, 1], [], []>, precision = #tpu.contract_precision<fp32>, transpose_lhs_hint = false} : vector<128x128xf32>, vector<128x128xf32>, vector<128x128xf32> -> vector<128x128xf32>
      %get3A_61 = arith.constant 128 : index
      %get3A_62 = arith.constant 0 : index
      %get3A_63 = vector.load %arg5[%get3A_61, %get3A_62] : memref<256x128xf32, #tpu.memory_space<vmem>>, vector<128x128xf32>
      %dot_general3A_64 = arith.constant dense<0.000000e+00> : vector<128x128xf32>
      %dot_general3A_65 = tpu.matmul %dot_general3A_55, %get3A_63, %dot_general3A_64 {dimension_numbers = #tpu.dot_dimension_numbers<[1], [0], [0], [1], [0, 0, 1, 1], [], []>, precision = #tpu.contract_precision<fp32>, transpose_lhs_hint = false} : vector<128x128xf32>, vector<128x128xf32>, vector<128x128xf32> -> vector<128x128xf32>
      %add3A_66 = arith.addf %dot_general3A_60, %dot_general3A_65 : vector<128x128xf32>
      %get3A_67 = arith.constant 0 : index
      %get3A_68 = arith.constant 0 : index
      %get3A_69 = vector.load %arg6[%get3A_67, %get3A_68] : memref<1x128xf32, #tpu.memory_space<vmem>>, vector<1x128xf32>
      %add3A_70 = vector.broadcast %get3A_69 : vector<1x128xf32> to vector<128x128xf32>
      %add3A_71 = arith.addf %add3A_66, %add3A_70 : vector<128x128xf32>
      %swap3A_72 = arith.constant 0 : index
      %swap3A_73 = arith.constant 0 : index
      %swap3A_74 = vector.load %arg7[%swap3A_72, %swap3A_73] : memref<128x128xf32, #tpu.memory_space<vmem>>, vector<128x128xf32>
      tpu.vector_store %arg7[%swap3A_72, %swap3A_73], %add3A_71 {strides = array<i32>} : memref<128x128xf32, #tpu.memory_space<vmem>>, vector<128x128xf32>,
    } else {
    }
    return
  }
  func.func @transform_0(%arg0: i32) -> (i32, i32) {
    %c0_i32 = arith.constant 0 : i32
    %c0_i32_0 = arith.constant 0 : i32
    return %arg0, %c0_i32 : i32, i32
  }
  func.func @transform_1(%arg0: i32) -> (i32, i32, i32) {
    %c0_i32 = arith.constant 0 : i32
    %c0_i32_0 = arith.constant 0 : i32
    %c0_i32_1 = arith.constant 0 : i32
    return %arg0, %c0_i32, %c0_i32_0 : i32, i32, i32
  }
  func.func @transform_2(%arg0: i32) -> (i32, i32) {
    %c0_i32 = arith.constant 0 : i32
    %c0_i32_0 = arith.constant 0 : i32
    %c0_i32_1 = arith.constant 0 : i32
    return %c0_i32, %c0_i32_0 : i32, i32
  }
  func.func @transform_3(%arg0: i32) -> (i32, i32) {
    %c0_i32 = arith.constant 0 : i32
    %c0_i32_0 = arith.constant 0 : i32
    %c0_i32_1 = arith.constant 0 : i32
    return %c0_i32, %c0_i32_0 : i32, i32
  }
  func.func @transform_4(%arg0: i32) -> (i32, i32) {
    %c0_i32 = arith.constant 0 : i32
    %c0_i32_0 = arith.constant 0 : i32
    %c0_i32_1 = arith.constant 0 : i32
    return %c0_i32, %c0_i32_0 : i32, i32
  }
  func.func @transform_5(%arg0: i32) -> (i32, i32) {
    %c0_i32 = arith.constant 0 : i32
    %c0_i32_0 = arith.constant 0 : i32
    %c0_i32_1 = arith.constant 0 : i32
    return %c0_i32, %c0_i32_0 : i32, i32
  }
  func.func @transform_6(%arg0: i32) -> (i32, i32) {
    %c0_i32 = arith.constant 0 : i32
    %c0_i32_0 = arith.constant 0 : i32
    %c0_i32_1 = arith.constant 0 : i32
    return %c0_i32, %c0_i32_0 : i32, i32
  }
}

</mosaic_0001>

<sc_bundles>
// kernel: kernel.10.cloned.1.call-start
scs
__scs_entry_jumppad:
0x0: {  	(pc) =	sbr.rel $0x88, $3  }
0x1: {  	(tag) =	ssettag $0x0;
	lr =	simm.s32 $0x1  }
0x2: {  	[smem:$0x3F8D] =	sst lr;
	_ =	strace $0xD0000000  }
0x3: {  	_ = 	snop  }
0x4: {  	_ = 	snop  }
0x5: {  	_ = 	snop  }
0x6: {  	_ = 	snop  }
0x7: {  	_ = 	snop  }
__scs_overlays_trampoline_lowered:
0x8: {  	[smem:$0x3F9C] =	sst s0  }
0x9: {  	[smem:$0x3F9D] =	sst s1  }
0xa: {  	[smem:$0x3F9E] =	sst s2  }
0xb: {  	[smem:$0x3F9F] =	sst s3  }
0xc: {  	[smem:$0x3FA0] =	sst s4  }
0xd: {  	[smem:$0x3FA1] =	sst s5  }
0xe: {  	[smem:$0x3FA2] =	sst s6  }
0xf: {  	[smem:$0x3FA3] =	sst s7  }
0x10: {  	[smem:$0x3FA4] =	sst s8  }
0x11: {  	[smem:$0x3FA5] =	sst s9;
	s0 =	simm.s32 @!p0 $0x0  }
0x12: {  	s1 =	sld [smem:$0x3F8B];
	s0 =	simm.s32 @p0 $0x1  }
0x13: {  	[smem:$0x3FA6] =	sst s0;
	s0 =	simm.s32 @!p1 $0x0  }
0x14: {  	s2 =	sld [smem:$0x3F8A];
	s0 =	simm.s32 @p1 $0x1  }
0x15: {  	[smem:$0x3FA7] =	sst s0;
	s0 =	simm.s32 @!p2 $0x0  }
0x16: {  	s3 =	sld [smem:$0x3FDB];
	s0 =	simm.s32 @p2 $0x1  }
0x17: {  	s4 =	simm.s32 $0x1BF5;
	[smem:$0x3FA9] =	sst s0  }
0x18: {  	s0 =	sld [smem:$0x3F8C];
	_ =	swait.ge [sflag:s4], $0x0  }
0x19: {  	s7 =	sld [smem:$0x3F8D]  }
0x1a: {  	s8 =	sadd.s32 $0xFFFFE003, lr  }
0x1b: {  	s9 =	sadd.s32 $0xFFFFFEF7, lr;
	s5 =	simm.s32 $0xFFFFFFFF;
	p2 =	slt.u32 s8, $0xFFFFF086  }
0x1c: {  	p1 =	slt.u32 s9, $0xF7A;
	s5 =	simm.s32 @!p2 $0x0  }
0x1d: {  	s5 =	simm.s32 @p1 $0x1;
	p0 =	seq.s32 s7, s2  }
0x1e: {  	s7 =	smul.u32 @!p0 $0xF7A, s2;
	p2 =	seq.s32 @!p0 s5, $0x0  }
0x1f: {  	s9 =	smul.u32 $0xF7A, s1;
	s8 =	simm.s32 @!p0 $0x1BF5;
	p2 =	por !p2, p0  }
0x20: {  	[sflag:s8] =	ssyncset.s32 @!p0 $0xFFFFF086;
	s6 =	sadd.s32 @!p0 s3, s7;
	s7 =	simm.s32 @!p0 $0x108  }
0x21: {  	s3 =	sadd.s32 s3, s9;
	s6 =	sadd.s32 @!p0 $0x88, s6;
	s7 =	simm.s32 @p2 $0x1082  }
0x22: {  	[simem:s7], [sflag:s8] =	dma.local @!p0 [hbm:s6], $0xF7A  }
0x23: {  	s9 =	sor.u32 $0xD0000000, s2;
	s6 =	simm.s32 $0x108;
	_ =	swait.ge @!p0 [sflag:s8], $0x0  }
0x24: {  	s3 =	sadd.s32 $0x88, s3;
	s6 =	simm.s32 @!p1 $0x1082;
	[sflag:s4] =	ssyncset.s32 $0xFFFFF086  }
0x25: {  	[simem:s6], [sflag:s4] =	dma.local [hbm:s3], $0xF7A  }
0x26: {  	[smem:$0x3F8D] =	sst s1;
	(tag) =	ssettag s2;
	_ =	strace s9  }
0x27: {  	s1 =	sld [smem:$0x3F9D]  }
0x28: {  	s2 =	sld [smem:$0x3F9E]  }
0x29: {  	s4 =	sld [smem:$0x3FA0]  }
0x2a: {  	p0 =	seq.s32 s5, $0x0;
	s5 =	sld [smem:$0x3FA1]  }
0x2b: {  	s6 =	sld [smem:$0x3FA2]  }
0x2c: {  	s7 =	sld [smem:$0x3FA3]  }
0x2d: {  	s3 =	simm.s32 $0x108;
	s8 =	sld [smem:$0x3FA4]  }
0x2e: {  	s3 =	simm.s32 @!p0 $0x1082;
	s9 =	sld [smem:$0x3FA5]  }
0x2f: {  	lr =	sadd.s32 s0, s3;
	s0 =	sld [smem:$0x3F9C]  }
0x30: {  	s3 =	sld [smem:$0x3F9F]  }
0x31: {  	[smem:$0x3FA8] =	sst s10  }
0x32: {  	s10 =	sld [smem:$0x3FA6];
	_ =	sdelay $0x3  }
0x33: {  	p0 =	seq.s32 s10, $0x1;
	s10 =	sld [smem:$0x3FA8];
	_ =	sdelay $0x3  }
0x34: {  	[smem:$0x3FA8] =	sst s10  }
0x35: {  	s10 =	sld [smem:$0x3FA7];
	_ =	sdelay $0x3  }
0x36: {  	p1 =	seq.s32 s10, $0x1;
	s10 =	sld [smem:$0x3FA8];
	_ =	sdelay $0x3  }
0x37: {  	[smem:$0x3FA8] =	sst s10  }
0x38: {  	s10 =	sld [smem:$0x3FA9]  }
0x39: {  	_ = 	snop;
	(pc) =	sbr.ind lr, $3  }
0x3a: {  	_ = 	snop  }
0x3b: {  	_ = 	snop  }
0x3c: {  	p2 =	seq.s32 s10, $0x1;
	s10 =	sld [smem:$0x3FA8]  }
0x3d: {  	_ =	shalt  }
0x3e: {  	_ =	shalt  }
0x3f: {  	_ =	shalt  }
0x40: {  	_ =	shalt  }
0x41: {  	_ =	shalt  }
0x42: {  	_ =	shalt  }
0x43: {  	_ =	shalt  }
0x44: {  	_ =	shalt  }
0x45: {  	_ =	shalt  }
0x46: {  	_ =	shalt  }
0x47: {  	_ =	shalt  }
0x48: {  	_ =	shalt  }
0x49: {  	_ =	shalt  }
0x4a: {  	_ =	shalt  }
0x4b: {  	_ =	shalt  }
0x4c: {  	_ =	shalt  }
0x4d: {  	_ =	shalt  }
0x4e: {  	_ =	shalt  }
0x4f: {  	_ =	shalt  }
0x50: {  	_ =	shalt  }
0x51: {  	_ =	shalt  }
0x52: {  	_ =	shalt  }
0x53: {  	_ =	shalt  }
0x54: {  	_ =	shalt  }
0x55: {  	_ =	shalt  }
0x56: {  	_ =	shalt  }
0x57: {  	_ =	shalt  }
0x58: {  	_ =	shalt  }
0x59: {  	_ =	shalt  }
0x5a: {  	_ =	shalt  }
0x5b: {  	_ =	shalt  }
0x5c: {  	_ =	shalt  }
0x5d: {  	_ =	shalt  }
0x5e: {  	_ =	shalt  }
0x5f: {  	_ =	shalt  }
0x60: {  	_ =	shalt  }
0x61: {  	_ =	shalt  }
0x62: {  	_ =	shalt  }
0x63: {  	_ =	shalt  }
0x64: {  	_ =	shalt  }
0x65: {  	_ =	shalt  }
0x66: {  	_ =	shalt  }
0x67: {  	_ =	shalt  }
0x68: {  	_ =	shalt  }
0x69: {  	_ =	shalt  }
0x6a: {  	_ =	shalt  }
0x6b: {  	_ =	shalt  }
0x6c: {  	_ =	shalt  }
0x6d: {  	_ =	shalt  }
0x6e: {  	_ =	shalt  }
0x6f: {  	_ =	shalt  }
0x70: {  	_ =	shalt  }
0x71: {  	_ =	shalt  }
0x72: {  	_ =	shalt  }
0x73: {  	_ =	shalt  }
0x74: {  	_ =	shalt  }
0x75: {  	_ =	shalt  }
0x76: {  	_ =	shalt  }
0x77: {  	_ =	shalt  }
0x78: {  	_ =	shalt  }
0x79: {  	_ =	shalt  }
0x7a: {  	_ =	shalt  }
0x7b: {  	_ =	shalt  }
0x7c: {  	_ =	shalt  }
0x7d: {  	_ =	shalt  }
0x7e: {  	_ =	shalt  }
0x7f: {  	_ =	shalt  }
0x80: {  	_ =	shalt  }
0x81: {  	_ =	shalt  }
0x82: {  	_ =	shalt  }
0x83: {  	_ =	shalt  }
0x84: {  	_ =	shalt  }
0x85: {  	_ =	shalt  }
0x86: {  	_ =	shalt  }
0x87: {  	_ =	shalt  }
.Lfunc_end0:
.L_simem_size_0:
called_computation_lowered:
.L_overlay_start_0:
0x88: {  	s2 =	sld [smem:$0x3FD9]  }
0x89: {  	s3 =	sld [smem:$0x3FFE];
	_ =	sdelay $0x1  }
0x8a: {  	s1 =	srdreg.scid  }
0x8b: {  	s0 =	sand.u32 $0x1, s1  }
0x8c: {  	s17 =	sshll.u32 s0, $0xA;
	s2 =	sadd.s32 s3, s2  }
0x8d: {  	s2 =	sadd.s32 s2, s17  }
0x8e: {  	[smem:$0x3FB4] =	sst s2  }
0x8f: {  	_ = 	snop  }
0x90: {  	(tm) =	ssettm $0x1  }
0x91: {  	s18 =	sld [smem:$0x3FFB];
	_ =	sdelay $0x3  }
0x92: {  	_ =	strace s18  }
0x93: {  	s2 =	sld [smem:$0x3FFC];
	_ =	sdelay $0x3  }
0x94: {  	_ =	strace s2  }
0x95: {  	s2 =	sld [smem:$0x3FFD];
	_ =	sdelay $0x3  }
0x96: {  	_ =	strace s2  }
0x97: {  	_ =	strace $0x8FFFFFFF  }
0x98: {  	s19 =	sld [smem:$0x3FDB];
	_ =	sdelay $0x1  }
0x99: {  	s20 =	simm.s32 $_scs_section_size  }
0x9a: {  	s4 =	simm.s32 $_size__tile_overlayer_lowered;
	s5 =	simm.s32 $_tile_overlayer_lowered  }
0x9b: {  	s6 =	simm.s32 $0x1BFF;
	s21 =	sshll.u32 s5, $0x1;
	s3 =	sadd.s32 s20, s19  }
0x9c: {  	s22 =	simm.s32 $0x0;
	s4 =	sshll.u32 s4, $0x1;
	s5 =	sadd.s32 s21, s3  }
0x9d: {  	[timem:s22], [sflag:s6] =	dma.local [hbm:s5], s4  }
0x9e: {  	_ =	swait.ge [sflag:s6], s4  }
0x9f: {  	s4 =	ssub.s32 $0x0, s4;
	[sflag:s6] =	ssyncset.done $0x0  }
0xa0: {  	[sflag:s6] =	ssyncadd.s32 s4;
	_ =	sdelay $0x1  }
0xa1: {  	s23 =	simm.s32 $0x1B8B  }
0xa2: {  	_ =	swait.ge [sflag:s23], $0x1  }
0xa3: {  	[sflag:s23] =	ssyncset.done $0x0  }
0xa4: {  	[sflag:s23] =	ssyncadd.s32 $0xFFFFFFFF  }
0xa5: {  	s4 =	sld [smem:$0x0]  }
0xa6: {  	s5 =	sand.u32 $0xFFFFFFFE, s1  }
0xa7: {  	p0 =	sne.s32 s1, s5  }
0xa8: {  	s5 =	sshll.u32 @p0 s5, $0xE  }
0xa9: {  	s5 =	sadd.s32 @p0 $0x11B8D, s5;
	s6 =	sshll.u32 @p0 s4, $0x11  }
0xaa: {  	s5 =	sor.u32 @p0 s6, s5  }
0xab: {  	[sflag:s5] =	ssyncadd.remote.s32 @p0 $0x1;
	_ =	sdelay $0x1  }
0xac: {  	s5 =	simm.s32 @p0 $0x1B8D  }
0xad: {  	_ =	swait.eq @p0 [sflag:s5], $0x1  }
0xae: {  	[sflag:s5] =	ssyncadd.s32 @p0 $0xFFFFFFFF  }
0xaf: {  	s6 =	sshll.u32 @!p0 s1, $0xE  }
0xb0: {  	s6 =	sor.u32 @!p0 $0x4000, s6;
	s5 =	simm.s32 @!p0 $0x1B8D  }
0xb1: {  	s4 =	sshll.u32 @!p0 s4, $0x11;
	s6 =	sadd.s32 @!p0 $0x11B8D, s6;
	_ =	swait.eq @!p0 [sflag:s5], $0x1  }
0xb2: {  	s4 =	sor.u32 @!p0 s4, s6;
	[sflag:s5] =	ssyncadd.s32 @!p0 $0xFFFFFFFF  }
0xb3: {  	s25 =	simm.s32 $0x1B8E;
	s24 =	sld [smem:$0x3FFE];
	[sflag:s4] =	ssyncadd.remote.s32 @!p0 $0x1  }
0xb4: {  	s26 =	simm.s32 $execute0_lowered;
	[smem:$0x3FD2] =	sst s25  }
0xb5: {  	s5 =	sshll.u32 s26, $0x1;
	_ =	strace $0x80000049;
	[dreg:$0x1] =	wrdreg $0xFFFFFFFF  }
0xb6: {  	s28 =	simm.s32 $_size_execute0_lowered;
	s3 =	sadd.s32 s3, s5;
	[dreg:$0x0] =	wrdreg $0x0  }
0xb7: {  	s5 =	sshll.u32 s28, $0x1;
	[dreg:$0x2] =	wrdreg s3  }
0xb8: {  	[dreg:$0x3] =	wrdreg s5  }
0xb9: {  	[dreg:$0x4] =	wrdreg $0xC0  }
0xba: {  	_ =	task [dreg:s22], $0x5FFFF  }
0xbb: {  	[dreg:$0x1] =	wrdreg $0xFFFFFFFF  }
0xbc: {  	[dreg:$0x0] =	wrdreg $0x60  }
0xbd: {  	[dreg:$0x2] =	wrdreg s24  }
0xbe: {  	[dreg:$0x3] =	wrdreg $0x90000  }
0xbf: {  	[dreg:$0x4] =	wrdreg $0x9  }
0xc0: {  	_ =	task.clear_ibuf [dreg:s22], $0x5FFFF;
	_ =	strace $0x90000049  }
0xc1: {  	s29 =	simm.s32 $0x9;
	_ =	strace $0x8000004B  }
0xc2: {  	_ =	swait.ge [sflag:s29], $0x1  }
0xc3: {  	[sflag:s29] =	ssyncadd.s32 $0xFFFFFFFF  }
0xc4: {  	_ =	strace $0x9000004B  }
0xc5: {  	_ =	sfence  }
0xc6: {  	s30 =	sld [smem:$0x0];
	_ =	sdelay $0x2  }
0xc7: {  	s31 =	sshll.u32 s1, $0xD;
	s1 =	sshrl.u32 s1, $0x2  }
0xc8: {  	s4 =	sand.u32 $0x4000, s31;
	s1 =	sadd.s32 s1, s30  }
0xc9: {  	s0 =	sor.u32 s4, s0;
	s1 =	sshll.u32 s1, $0x11  }
0xca: {  	s0 =	sor.u32 s1, s0  }
0xcb: {  	s0 =	sadd.s32 $0x8F2B, s0  }
0xcc: {  	[sflag:s0] =	ssyncadd.remote.s32 $0x1  }
0xcd: {  	_ =	sfence.sel $0xFFFF  }
0xce: {  	[dreg:$0x0] =	wrdreg $0xFFFFFFFF;
	(pc) =	sbr.abs _section_cstart, $3  }
0xcf: {  	[dreg:$0x1] =	wrdreg $0xFFFFFFFF  }
0xd0: {  	_ =	task.clear_ibuf [dreg:s22], $0x2FFFF;
	_ =	strace $0x9FFFFFFF  }
0xd1: {  	(tm) =	ssettm $0x7FFFFFFF  }
tec
execute0_lowered:
.L_overlay_start_1:
0x0: {  	(tag) =	ssettag $0x1  }
0x1: {  	s1 =	srdreg.scid  }
0x2: {  	s0 =	stileid.u32;
	s6 =	rddreg [dreg:$0x0]  }
0x3: {  	s2 =	rddreg [dreg:$0x1];
	s3 =	simm.s32 $0x0;
	s14 =	simm.s32 $0x80  }
0x4: {  	s15 =	simm.s32 $0x5000;
	s16 =	simm.s32 $0x1;
	s17 =	simm.s32 $0x0  }
0x5: {  	s5 =	sand.u32 $0x1, s1;
	s29 =	sshll.u32 s0, $0x1;
	s9 =	smul.u32 $0x14000, s0  }
0x6: {  	[smem:$0x7FF] =	sst s3;
	s4 =	sadd.s32 $0x74A00, s6;
	s11 =	smul.u32 $0x50000, s0  }
0x7: {  	s12 =	sshll.u32 s0, $0x6;
	s1 =	sor.u32 s5, s29;
	s8 =	smul.u32 $0x140000, s5  }
0x8: {  	s30 =	ssub.s32 $0x2, s5;
	s5 =	sadd.s32 $0x18200, s6;
	s12 =	sor.u32 $0x1C02, s12  }
0x9: {  	s7 =	smul.u32 $0x500, s1;
	s1 =	rddreg [dreg:$0x2];
	_ =	strace $0x8000004A  }
0xa: {  	s10 =	sshrl.u32 s30, $0x1;
	s31 =	sshrl.u32 s11, $0x2;
	s11 =	simm.s32 $0x2800  }
0xb: {  	s8 =	sadd.s32 s9, s8;
	s9 =	ssub.s32 s30, s10;
	s13 =	sadd.s32 s31, s2  }
0xc: {  	s10 =	simm.s32 $0x2;
	s7 =	sadd.s32 s7, s6;
	s8 =	sshrl.u32 s8, $0x3  }
0xd: {  	s9 =	smax.u32 s9, $0x1;
	s13 =	sshrl.u32 s13, $0x3;
	s8 =	sadd.s32 s8, s6  }
0xe: {  	s6 =	sadd.s32 $0x6AA00, s7;
	s7 =	sadd.s32 $0x4200, s7;
	s8 =	sadd.s32 $0x74C00, s8  }
.LBB2_1:
0xf: {  	[tilespmem:s3], [sflag:$0x2] =	stream.linear.gather [hbm4b:s6+s3], $0x2780, $0x38;
	[tilespmem:$0x1D000] =	vst v63  }
0x10: {  	_ =	swait.ge [sflag:s10], $0x2780  }
0x11: {  	[sflag:s10] =	ssyncset.done $0x0  }
0x12: {  	[sflag:s10] =	ssyncadd.s32 $0xFFFFD880  }
0x13: {  	[tilespmem:s11], [sflag:$0x2] =	stream.linear.gather [hbm4b:s7+s3], $0x2780, $0x38;
	[tilespmem:$0x1D000] =	vst v63  }
0x14: {  	_ =	swait.ge [sflag:s10], $0x2780  }
0x15: {  	[sflag:s10] =	ssyncset.done $0x0  }
0x16: {  	[sflag:s10] =	ssyncadd.s32 $0xFFFFD880  }
0x17: {  	[spmem:s13], [sflag:s12] =	dma.local [hbm:s5], $0x2800  }
0x18: {  	_ =	swait.ge [sflag:s10], $0x2800  }
0x19: {  	[sflag:s10] =	ssyncset.done $0x0  }
0x1a: {  	[sflag:s10] =	ssyncadd.s32 $0xFFFFD800  }
0x1b: {  	s18 =	simm.s32 $0x0;
	[bflag:$0x0] =	sbarrier.arrive $0xFFFF  }
0x1c: {  	[tilespmem:s15], [sflag:$0x1] =	stream.indirect.gather [hbm4b:s4+s14], $0x80, s18, s14, $0xb8;
	[tilespmem:$0x1D000] =	vst v63  }
0x1d: {  	_ =	swait.ge [sflag:s16], $0x4000  }
0x1e: {  	[sflag:s16] =	ssyncset.done $0x0  }
0x1f: {  	s31 =	simm.s32 $0x2800;
	[sflag:s16] =	ssyncadd.s32 $0xFFFFC000  }
0x20: {  	[spmem:s2] =	stream.indirect.scatter.add.f32 [tilespmem:s15], [sflag:$0x2], $0x80, s31, s14, $0xb8;
	[tilespmem:$0x1D000] =	vst v63  }
0x21: {  	_ =	swait.ge [sflag:s10], $0x4000  }
0x22: {  	s19 =	simm.s32 $0x400;
	s18 =	simm.s32 $0x200;
	[sflag:s10] =	ssyncset.done $0x0  }
.LBB2_2:
0x23: {  	s20 =	sshra.s32 s18, $0x2  }
0x24: {  	[sflag:s10] =	ssyncadd.s32 $0xFFFFC000;
	s18 =	smov.u32 s19;
	s21 =	sadd.s32 $0x200, s19  }
0x25: {  	[tilespmem:s15], [sflag:$0x1] =	stream.indirect.gather [hbm4b:s4+s14], $0x80, s20, s14, $0xb8;
	[tilespmem:$0x1D000] =	vst v63  }
0x26: {  	p0 =	sne.s32 s19, $0x9C00;
	_ =	swait.ge [sflag:s16], $0x4000  }
.Ltmp0:
0x27: {  	[sflag:s16] =	ssyncset.done $0x0;
	(pc) =	sbr.rel @p0 .LBB2_2-.Ltmp0, $4  }
0x28: {  	s19 =	sadd.s32 $0x2800, s20;
	[sflag:s16] =	ssyncadd.s32 $0xFFFFC000  }
0x29: {  	[spmem:s2] =	stream.indirect.scatter.add.f32 [tilespmem:s15], [sflag:$0x2], $0x80, s19, s14, $0xb8;
	[tilespmem:$0x1D000] =	vst v63  }
0x2a: {  	_ =	swait.ge [sflag:s10], $0x4000  }
0x2b: {  	s19 =	smov.u32 s21;
	[sflag:s10] =	ssyncset.done $0x0  }
0x2c: {  	s18 =	sshra.s32 s18, $0x2;
	[sflag:s10] =	ssyncadd.s32 $0xFFFFC000  }
0x2d: {  	[tilespmem:s15], [sflag:$0x1] =	stream.indirect.gather [hbm4b:s4+s14], $0x80, s18, s14, $0xb8;
	[tilespmem:$0x1D000] =	vst v63  }
0x2e: {  	_ =	swait.ge [sflag:s16], $0x4000  }
0x2f: {  	[sflag:s16] =	ssyncset.done $0x0  }
0x30: {  	s18 =	sadd.s32 $0x2800, s18;
	[sflag:s16] =	ssyncadd.s32 $0xFFFFC000  }
0x31: {  	[spmem:s2] =	stream.indirect.scatter.add.f32 [tilespmem:s15], [sflag:$0x2], $0x80, s18, s14, $0xb8;
	[tilespmem:$0x1D000] =	vst v63  }
0x32: {  	_ =	swait.ge [sflag:s10], $0x4000  }
0x33: {  	s17 =	sadd.s32 $0x1, s17;
	[sflag:s10] =	ssyncset.done $0x0  }
0x34: {  	p0 =	sne.s32 s17, s9;
	[sflag:s10] =	ssyncadd.s32 $0xFFFFC000  }
.Ltmp1:
0x35: {  	[bflag:$0x0] =	sbarrier.arrive $0xFFFF;
	(pc) =	sbr.rel @p0 .LBB2_1-.Ltmp1, $4  }
0x36: {  	[hbm:s8], [sflag:s12] =	dma.local [spmem:s13], $0x2800  }
0x37: {  	_ =	swait.ge [sflag:s10], $0x2800  }
0x38: {  	[sflag:s10] =	ssyncset.done $0x0  }
0x39: {  	[sflag:s10] =	ssyncadd.s32 $0xFFFFD800  }
0x3a: {  	_ =	sfence.sel $0x180000  }
0x3b: {  	[bflag:$0x0] =	sbarrier.arrive $0xFFFF  }
0x3c: {  	p0 =	sne.s32 s0, $0x0;
	_ =	strace $0x9000004A  }
0x3d: {  	s0 =	sadd.s32 @!p0 $0x100000, s1;
	[bflag:$0x2] =	sbarrier.arrive $0xFFFF  }
0x3e: {  	[sflag:s0] =	ssyncadd.tile.s32 @!p0 $0x1;
	_ =	shalt  }
.Lfunc_end2:
_tile_overlayer_lowered:
.L_overlay_start_2:
0x3f: {  	(tag) =	ssettag $0x2  }
0x40: {  	s0 =	rddreg [dreg:$0x0];
	s2 =	stileid.u32  }
0x41: {  	s1 =	rddreg [dreg:$0x1];
	p0 =	sne.s32 s2, $0x0  }
0x42: {  	s3 =	rddreg [dreg:$0x2];
	[bflag:$0x3] =	sbarrier.arrive $0xFFFF;
	s2 =	simm.s32 @!p0 $0x1C02  }
0x43: {  	[timem:s3], [sflag:s2] =	dma.local @!p0 [hbm:s0], s1  }
0x44: {  	s0 =	simm.s32 @!p0 $0x2  }
0x45: {  	_ =	swait.ge @!p0 [sflag:s0], s1  }
0x46: {  	s1 =	ssub.s32 @!p0 $0x0, s1;
	[sflag:s0] =	ssyncset.done @!p0 $0x0  }
0x47: {  	[sflag:s0] =	ssyncadd.s32 @!p0 s1  }
0x48: {  	[bflag:$0x3] =	sbarrier.arrive $0xFFFF  }
0x49: {  	_ =	shalt  }

// kernel: kernel.13.cloned.1.call-start
scs
__scs_entry_jumppad:
0x0: {  	(pc) =	sbr.rel $0x88, $3  }
0x1: {  	(tag) =	ssettag $0x0;
	lr =	simm.s32 $0x1  }
0x2: {  	[smem:$0x3F8D] =	sst lr;
	_ =	strace $0xD0000000  }
0x3: {  	_ = 	snop  }
0x4: {  	_ = 	snop  }
0x5: {  	_ = 	snop  }
0x6: {  	_ = 	snop  }
0x7: {  	_ = 	snop  }
__scs_overlays_trampoline_lowered:
0x8: {  	[smem:$0x3F9C] =	sst s0  }
0x9: {  	[smem:$0x3F9D] =	sst s1  }
0xa: {  	[smem:$0x3F9E] =	sst s2  }
0xb: {  	[smem:$0x3F9F] =	sst s3  }
0xc: {  	[smem:$0x3FA0] =	sst s4  }
0xd: {  	[smem:$0x3FA1] =	sst s5  }
0xe: {  	[smem:$0x3FA2] =	sst s6  }
0xf: {  	[smem:$0x3FA3] =	sst s7  }
0x10: {  	[smem:$0x3FA4] =	sst s8  }
0x11: {  	[smem:$0x3FA5] =	sst s9;
	s0 =	simm.s32 @!p0 $0x0  }
0x12: {  	s1 =	sld [smem:$0x3F8B];
	s0 =	simm.s32 @p0 $0x1  }
0x13: {  	[smem:$0x3FA6] =	sst s0;
	s0 =	simm.s32 @!p1 $0x0  }
0x14: {  	s2 =	sld [smem:$0x3F8A];
	s0 =	simm.s32 @p1 $0x1  }
0x15: {  	[smem:$0x3FA7] =	sst s0;
	s0 =	simm.s32 @!p2 $0x0  }
0x16: {  	s3 =	sld [smem:$0x3FDB];
	s0 =	simm.s32 @p2 $0x1  }
0x17: {  	s4 =	simm.s32 $0x1BF5;
	[smem:$0x3FA9] =	sst s0  }
0x18: {  	s0 =	sld [smem:$0x3F8C];
	_ =	swait.ge [sflag:s4], $0x0  }
0x19: {  	s7 =	sld [smem:$0x3F8D]  }
0x1a: {  	s8 =	sadd.s32 $0xFFFFE003, lr  }
0x1b: {  	s9 =	sadd.s32 $0xFFFFFEF7, lr;
	s5 =	simm.s32 $0xFFFFFFFF;
	p2 =	slt.u32 s8, $0xFFFFF086  }
0x1c: {  	p1 =	slt.u32 s9, $0xF7A;
	s5 =	simm.s32 @!p2 $0x0  }
0x1d: {  	s5 =	simm.s32 @p1 $0x1;
	p0 =	seq.s32 s7, s2  }
0x1e: {  	s7 =	smul.u32 @!p0 $0xF7A, s2;
	p2 =	seq.s32 @!p0 s5, $0x0  }
0x1f: {  	s9 =	smul.u32 $0xF7A, s1;
	s8 =	simm.s32 @!p0 $0x1BF5;
	p2 =	por !p2, p0  }
0x20: {  	[sflag:s8] =	ssyncset.s32 @!p0 $0xFFFFF086;
	s6 =	sadd.s32 @!p0 s3, s7;
	s7 =	simm.s32 @!p0 $0x108  }
0x21: {  	s3 =	sadd.s32 s3, s9;
	s6 =	sadd.s32 @!p0 $0x88, s6;
	s7 =	simm.s32 @p2 $0x1082  }
0x22: {  	[simem:s7], [sflag:s8] =	dma.local @!p0 [hbm:s6], $0xF7A  }
0x23: {  	s9 =	sor.u32 $0xD0000000, s2;
	s6 =	simm.s32 $0x108;
	_ =	swait.ge @!p0 [sflag:s8], $0x0  }
0x24: {  	s3 =	sadd.s32 $0x88, s3;
	s6 =	simm.s32 @!p1 $0x1082;
	[sflag:s4] =	ssyncset.s32 $0xFFFFF086  }
0x25: {  	[simem:s6], [sflag:s4] =	dma.local [hbm:s3], $0xF7A  }
0x26: {  	[smem:$0x3F8D] =	sst s1;
	(tag) =	ssettag s2;
	_ =	strace s9  }
0x27: {  	s1 =	sld [smem:$0x3F9D]  }
0x28: {  	s2 =	sld [smem:$0x3F9E]  }
0x29: {  	s4 =	sld [smem:$0x3FA0]  }
0x2a: {  	p0 =	seq.s32 s5, $0x0;
	s5 =	sld [smem:$0x3FA1]  }
0x2b: {  	s6 =	sld [smem:$0x3FA2]  }
0x2c: {  	s7 =	sld [smem:$0x3FA3]  }
0x2d: {  	s3 =	simm.s32 $0x108;
	s8 =	sld [smem:$0x3FA4]  }
0x2e: {  	s3 =	simm.s32 @!p0 $0x1082;
	s9 =	sld [smem:$0x3FA5]  }
0x2f: {  	lr =	sadd.s32 s0, s3;
	s0 =	sld [smem:$0x3F9C]  }
0x30: {  	s3 =	sld [smem:$0x3F9F]  }
0x31: {  	[smem:$0x3FA8] =	sst s10  }
0x32: {  	s10 =	sld [smem:$0x3FA6];
	_ =	sdelay $0x3  }
0x33: {  	p0 =	seq.s32 s10, $0x1;
	s10 =	sld [smem:$0x3FA8];
	_ =	sdelay $0x3  }
0x34: {  	[smem:$0x3FA8] =	sst s10  }
0x35: {  	s10 =	sld [smem:$0x3FA7];
	_ =	sdelay $0x3  }
0x36: {  	p1 =	seq.s32 s10, $0x1;
	s10 =	sld [smem:$0x3FA8];
	_ =	sdelay $0x3  }
0x37: {  	[smem:$0x3FA8] =	sst s10  }
0x38: {  	s10 =	sld [smem:$0x3FA9]  }
0x39: {  	_ = 	snop;
	(pc) =	sbr.ind lr, $3  }
0x3a: {  	_ = 	snop  }
0x3b: {  	_ = 	snop  }
0x3c: {  	p2 =	seq.s32 s10, $0x1;
	s10 =	sld [smem:$0x3FA8]  }
0x3d: {  	_ =	shalt  }
0x3e: {  	_ =	shalt  }
0x3f: {  	_ =	shalt  }
0x40: {  	_ =	shalt  }
0x41: {  	_ =	shalt  }
0x42: {  	_ =	shalt  }
0x43: {  	_ =	shalt  }
0x44: {  	_ =	shalt  }
0x45: {  	_ =	shalt  }
0x46: {  	_ =	shalt  }
0x47: {  	_ =	shalt  }
0x48: {  	_ =	shalt  }
0x49: {  	_ =	shalt  }
0x4a: {  	_ =	shalt  }
0x4b: {  	_ =	shalt  }
0x4c: {  	_ =	shalt  }
0x4d: {  	_ =	shalt  }
0x4e: {  	_ =	shalt  }
0x4f: {  	_ =	shalt  }
0x50: {  	_ =	shalt  }
0x51: {  	_ =	shalt  }
0x52: {  	_ =	shalt  }
0x53: {  	_ =	shalt  }
0x54: {  	_ =	shalt  }
0x55: {  	_ =	shalt  }
0x56: {  	_ =	shalt  }
0x57: {  	_ =	shalt  }
0x58: {  	_ =	shalt  }
0x59: {  	_ =	shalt  }
0x5a: {  	_ =	shalt  }
0x5b: {  	_ =	shalt  }
0x5c: {  	_ =	shalt  }
0x5d: {  	_ =	shalt  }
0x5e: {  	_ =	shalt  }
0x5f: {  	_ =	shalt  }
0x60: {  	_ =	shalt  }
0x61: {  	_ =	shalt  }
0x62: {  	_ =	shalt  }
0x63: {  	_ =	shalt  }
0x64: {  	_ =	shalt  }
0x65: {  	_ =	shalt  }
0x66: {  	_ =	shalt  }
0x67: {  	_ =	shalt  }
0x68: {  	_ =	shalt  }
0x69: {  	_ =	shalt  }
0x6a: {  	_ =	shalt  }
0x6b: {  	_ =	shalt  }
0x6c: {  	_ =	shalt  }
0x6d: {  	_ =	shalt  }
0x6e: {  	_ =	shalt  }
0x6f: {  	_ =	shalt  }
0x70: {  	_ =	shalt  }
0x71: {  	_ =	shalt  }
0x72: {  	_ =	shalt  }
0x73: {  	_ =	shalt  }
0x74: {  	_ =	shalt  }
0x75: {  	_ =	shalt  }
0x76: {  	_ =	shalt  }
0x77: {  	_ =	shalt  }
0x78: {  	_ =	shalt  }
0x79: {  	_ =	shalt  }
0x7a: {  	_ =	shalt  }
0x7b: {  	_ =	shalt  }
0x7c: {  	_ =	shalt  }
0x7d: {  	_ =	shalt  }
0x7e: {  	_ =	shalt  }
0x7f: {  	_ =	shalt  }
0x80: {  	_ =	shalt  }
0x81: {  	_ =	shalt  }
0x82: {  	_ =	shalt  }
0x83: {  	_ =	shalt  }
0x84: {  	_ =	shalt  }
0x85: {  	_ =	shalt  }
0x86: {  	_ =	shalt  }
0x87: {  	_ =	shalt  }
.Lfunc_end0:
.L_simem_size_0:
called_computation.1_lowered:
.L_overlay_start_0:
0x88: {  	s2 =	sld [smem:$0x3FD9]  }
0x89: {  	s3 =	sld [smem:$0x3FFE];
	_ =	sdelay $0x1  }
0x8a: {  	s1 =	srdreg.scid  }
0x8b: {  	s0 =	sand.u32 $0x1, s1  }
0x8c: {  	s17 =	sshll.u32 s0, $0xA;
	s2 =	sadd.s32 s3, s2  }
0x8d: {  	s2 =	sadd.s32 s2, s17  }
0x8e: {  	[smem:$0x3FB4] =	sst s2  }
0x8f: {  	_ = 	snop  }
0x90: {  	s2 =	sld [smem:$0x3FC9];
	(tm) =	ssettm $0x1  }
0x91: {  	s18 =	sld [smem:$0x3FFB];
	_ =	sdelay $0x3  }
0x92: {  	_ =	strace s18  }
0x93: {  	s3 =	sld [smem:$0x3FFC];
	_ =	sdelay $0x3  }
0x94: {  	_ =	strace s3  }
0x95: {  	s3 =	sld [smem:$0x3FFD];
	_ =	sdelay $0x3  }
0x96: {  	_ =	strace s3  }
0x97: {  	_ =	strace $0x8FFFFFFF  }
0x98: {  	s19 =	sld [smem:$0x3FDB];
	_ =	sdelay $0x1  }
0x99: {  	s4 =	simm.s32 $_scs_section_size  }
0x9a: {  	s5 =	simm.s32 $_size__tile_overlayer_lowered;
	s6 =	simm.s32 $_tile_overlayer_lowered  }
0x9b: {  	s22 =	simm.s32 $0x1BFF;
	s21 =	sshll.u32 s6, $0x1;
	s3 =	sadd.s32 s4, s19  }
0x9c: {  	s7 =	simm.s32 $0x0;
	s20 =	sshll.u32 s5, $0x1;
	s5 =	sadd.s32 s21, s3  }
0x9d: {  	[timem:s7], [sflag:s22] =	dma.local [hbm:s5], s20  }
0x9e: {  	_ =	swait.ge [sflag:s22], s20  }
0x9f: {  	s4 =	ssub.s32 $0x0, s20;
	[sflag:s22] =	ssyncset.done $0x0  }
0xa0: {  	[sflag:s22] =	ssyncadd.s32 s4;
	_ =	sdelay $0x1  }
0xa1: {  	s23 =	simm.s32 $0x1B8B  }
0xa2: {  	_ =	swait.ge [sflag:s23], $0x1  }
0xa3: {  	[sflag:s23] =	ssyncset.done $0x0  }
0xa4: {  	s25 =	simm.s32 $0x1B8E;
	s24 =	sld [smem:$0x3FFE];
	[sflag:s23] =	ssyncadd.s32 $0xFFFFFFFF  }
0xa5: {  	s26 =	simm.s32 $execute0_lowered;
	[smem:$0x3FD2] =	sst s25  }
0xa6: {  	s5 =	sshll.u32 s26, $0x1;
	_ =	strace $0x80000046;
	[dreg:$0x1] =	wrdreg $0xFFFFFFFF  }
0xa7: {  	s28 =	simm.s32 $_size_execute0_lowered;
	s3 =	sadd.s32 s3, s5;
	[dreg:$0x0] =	wrdreg $0x0  }
0xa8: {  	s5 =	sshll.u32 s28, $0x1;
	[dreg:$0x2] =	wrdreg s3  }
0xa9: {  	[dreg:$0x3] =	wrdreg s5  }
0xaa: {  	[dreg:$0x4] =	wrdreg $0xC0  }
0xab: {  	_ =	task [dreg:s7], $0x5FFFF  }
0xac: {  	[dreg:$0x1] =	wrdreg $0xFFFFFFFF  }
0xad: {  	[dreg:$0x0] =	wrdreg $0x60  }
0xae: {  	[dreg:$0x2] =	wrdreg s2  }
0xaf: {  	[dreg:$0x3] =	wrdreg s24  }
0xb0: {  	[dreg:$0x4] =	wrdreg $0x90000  }
0xb1: {  	[dreg:$0x5] =	wrdreg $0xA  }
0xb2: {  	_ =	task.clear_ibuf [dreg:s7], $0x6FFFF;
	_ =	strace $0x90000046  }
0xb3: {  	s29 =	simm.s32 $0xA;
	_ =	strace $0x80000048  }
0xb4: {  	_ =	swait.ge [sflag:s29], $0x1  }
0xb5: {  	[sflag:s29] =	ssyncadd.s32 $0xFFFFFFFF  }
0xb6: {  	_ =	strace $0x90000048  }
0xb7: {  	_ =	sfence  }
0xb8: {  	s30 =	sld [smem:$0x0];
	_ =	sdelay $0x2  }
0xb9: {  	s31 =	sshll.u32 s1, $0xD;
	s1 =	sshrl.u32 s1, $0x2  }
0xba: {  	s3 =	sand.u32 $0x4000, s31;
	s1 =	sadd.s32 s1, s30  }
0xbb: {  	s0 =	sor.u32 s3, s0;
	s1 =	sshll.u32 s1, $0x11  }
0xbc: {  	s0 =	sor.u32 s1, s0  }
0xbd: {  	s0 =	sadd.s32 $0x8F2B, s0  }
0xbe: {  	[sflag:s0] =	ssyncadd.remote.s32 $0x1  }
0xbf: {  	_ =	sfence.sel $0xFFFF  }
0xc0: {  	[dreg:$0x0] =	wrdreg $0xFFFFFFFF;
	(pc) =	sbr.abs _section_cstart, $3  }
0xc1: {  	[dreg:$0x1] =	wrdreg $0xFFFFFFFF  }
0xc2: {  	_ =	task.clear_ibuf [dreg:s7], $0x2FFFF;
	_ =	strace $0x9FFFFFFF  }
0xc3: {  	(tm) =	ssettm $0x7FFFFFFF  }
tec
execute0_lowered:
.L_overlay_start_1:
0x0: {  	(tag) =	ssettag $0x1  }
0x1: {  	s1 =	rddreg [dreg:$0x0]  }
0x2: {  	s2 =	srdreg.scid;
	s6 =	rddreg [dreg:$0x1]  }
0x3: {  	s0 =	stileid.u32;
	s3 =	rddreg [dreg:$0x2];
	s4 =	simm.s32 $0x0  }
0x4: {  	s14 =	simm.s32 $0x80;
	s15 =	simm.s32 $0x5000;
	s16 =	simm.s32 $0x1  }
0x5: {  	s17 =	simm.s32 $0x0;
	s5 =	sand.u32 $0x1, s2;
	s9 =	smul.u32 $0x14000, s0  }
0x6: {  	s29 =	sshll.u32 s0, $0x1;
	[smem:$0x7FF] =	sst s4;
	s11 =	smul.u32 $0x50000, s0  }
0x7: {  	s12 =	sshll.u32 s0, $0x6;
	s2 =	sor.u32 s5, s29;
	s8 =	smul.u32 $0x140000, s5  }
0x8: {  	s30 =	ssub.s32 $0x2, s5;
	s5 =	sadd.s32 $0x18200, s6;
	s12 =	sor.u32 $0x1C02, s12  }
0x9: {  	s7 =	smul.u32 $0x500, s2;
	s2 =	rddreg [dreg:$0x3];
	_ =	strace $0x80000047  }
0xa: {  	s10 =	sshrl.u32 s30, $0x1;
	s31 =	sshrl.u32 s11, $0x2;
	s11 =	simm.s32 $0x2800  }
0xb: {  	s8 =	sadd.s32 s9, s8;
	s9 =	ssub.s32 s30, s10;
	s13 =	sadd.s32 s31, s3  }
0xc: {  	s10 =	simm.s32 $0x2;
	s7 =	sadd.s32 s7, s6;
	s8 =	sshrl.u32 s8, $0x3  }
0xd: {  	s9 =	smax.u32 s9, $0x1;
	s13 =	sshrl.u32 s13, $0x3;
	s8 =	sadd.s32 s8, s6  }
0xe: {  	s6 =	sadd.s32 $0xE200, s7;
	s7 =	sadd.s32 $0x4200, s7;
	s8 =	sadd.s32 $0x1AA00, s8  }
.LBB2_1:
0xf: {  	[tilespmem:s4], [sflag:$0x2] =	stream.linear.gather [hbm4b:s6+s4], $0x2780, $0x38;
	[tilespmem:$0x1D000] =	vst v63  }
0x10: {  	_ =	swait.ge [sflag:s10], $0x2780  }
0x11: {  	[sflag:s10] =	ssyncset.done $0x0  }
0x12: {  	[sflag:s10] =	ssyncadd.s32 $0xFFFFD880  }
0x13: {  	[tilespmem:s11], [sflag:$0x2] =	stream.linear.gather [hbm4b:s7+s4], $0x2780, $0x38;
	[tilespmem:$0x1D000] =	vst v63  }
0x14: {  	_ =	swait.ge [sflag:s10], $0x2780  }
0x15: {  	[sflag:s10] =	ssyncset.done $0x0  }
0x16: {  	[sflag:s10] =	ssyncadd.s32 $0xFFFFD880  }
0x17: {  	[spmem:s13], [sflag:s12] =	dma.local [hbm:s5], $0x2800  }
0x18: {  	_ =	swait.ge [sflag:s10], $0x2800  }
0x19: {  	[sflag:s10] =	ssyncset.done $0x0  }
0x1a: {  	[sflag:s10] =	ssyncadd.s32 $0xFFFFD800  }
0x1b: {  	s18 =	simm.s32 $0x0;
	[bflag:$0x0] =	sbarrier.arrive $0xFFFF  }
0x1c: {  	[tilespmem:s15], [sflag:$0x1] =	stream.indirect.gather [hbm4b:s1+s14], $0x80, s18, s14, $0xb8;
	[tilespmem:$0x1D000] =	vst v63  }
0x1d: {  	_ =	swait.ge [sflag:s16], $0x4000  }
0x1e: {  	[sflag:s16] =	ssyncset.done $0x0  }
0x1f: {  	s31 =	simm.s32 $0x2800;
	[sflag:s16] =	ssyncadd.s32 $0xFFFFC000  }
0x20: {  	[spmem:s3] =	stream.indirect.scatter.add.f32 [tilespmem:s15], [sflag:$0x2], $0x80, s31, s14, $0xb8;
	[tilespmem:$0x1D000] =	vst v63  }
0x21: {  	_ =	swait.ge [sflag:s10], $0x4000  }
0x22: {  	s19 =	simm.s32 $0x400;
	s18 =	simm.s32 $0x200;
	[sflag:s10] =	ssyncset.done $0x0  }
.LBB2_2:
0x23: {  	s20 =	sshra.s32 s18, $0x2  }
0x24: {  	[sflag:s10] =	ssyncadd.s32 $0xFFFFC000;
	s18 =	smov.u32 s19;
	s21 =	sadd.s32 $0x200, s19  }
0x25: {  	[tilespmem:s15], [sflag:$0x1] =	stream.indirect.gather [hbm4b:s1+s14], $0x80, s20, s14, $0xb8;
	[tilespmem:$0x1D000] =	vst v63  }
0x26: {  	p0 =	sne.s32 s19, $0x9C00;
	_ =	swait.ge [sflag:s16], $0x4000  }
.Ltmp0:
0x27: {  	[sflag:s16] =	ssyncset.done $0x0;
	(pc) =	sbr.rel @p0 .LBB2_2-.Ltmp0, $4  }
0x28: {  	s19 =	sadd.s32 $0x2800, s20;
	[sflag:s16] =	ssyncadd.s32 $0xFFFFC000  }
0x29: {  	[spmem:s3] =	stream.indirect.scatter.add.f32 [tilespmem:s15], [sflag:$0x2], $0x80, s19, s14, $0xb8;
	[tilespmem:$0x1D000] =	vst v63  }
0x2a: {  	_ =	swait.ge [sflag:s10], $0x4000  }
0x2b: {  	s19 =	smov.u32 s21;
	[sflag:s10] =	ssyncset.done $0x0  }
0x2c: {  	s18 =	sshra.s32 s18, $0x2;
	[sflag:s10] =	ssyncadd.s32 $0xFFFFC000  }
0x2d: {  	[tilespmem:s15], [sflag:$0x1] =	stream.indirect.gather [hbm4b:s1+s14], $0x80, s18, s14, $0xb8;
	[tilespmem:$0x1D000] =	vst v63  }
0x2e: {  	_ =	swait.ge [sflag:s16], $0x4000  }
0x2f: {  	[sflag:s16] =	ssyncset.done $0x0  }
0x30: {  	s18 =	sadd.s32 $0x2800, s18;
	[sflag:s16] =	ssyncadd.s32 $0xFFFFC000  }
0x31: {  	[spmem:s3] =	stream.indirect.scatter.add.f32 [tilespmem:s15], [sflag:$0x2], $0x80, s18, s14, $0xb8;
	[tilespmem:$0x1D000] =	vst v63  }
0x32: {  	_ =	swait.ge [sflag:s10], $0x4000  }
0x33: {  	s17 =	sadd.s32 $0x1, s17;
	[sflag:s10] =	ssyncset.done $0x0  }
0x34: {  	p0 =	sne.s32 s17, s9;
	[sflag:s10] =	ssyncadd.s32 $0xFFFFC000  }
.Ltmp1:
0x35: {  	[bflag:$0x0] =	sbarrier.arrive $0xFFFF;
	(pc) =	sbr.rel @p0 .LBB2_1-.Ltmp1, $4  }
0x36: {  	[hbm:s8], [sflag:s12] =	dma.local [spmem:s13], $0x2800  }
0x37: {  	_ =	swait.ge [sflag:s10], $0x2800  }
0x38: {  	[sflag:s10] =	ssyncset.done $0x0  }
0x39: {  	[sflag:s10] =	ssyncadd.s32 $0xFFFFD800  }
0x3a: {  	_ =	sfence.sel $0x180000  }
0x3b: {  	[bflag:$0x0] =	sbarrier.arrive $0xFFFF  }
0x3c: {  	p0 =	sne.s32 s0, $0x0;
	_ =	strace $0x90000047  }
0x3d: {  	s0 =	sadd.s32 @!p0 $0x100000, s2;
	[bflag:$0x2] =	sbarrier.arrive $0xFFFF  }
0x3e: {  	[sflag:s0] =	ssyncadd.tile.s32 @!p0 $0x1;
	_ =	shalt  }
.Lfunc_end2:
_tile_overlayer_lowered:
.L_overlay_start_2:
0x3f: {  	(tag) =	ssettag $0x2  }
0x40: {  	s0 =	rddreg [dreg:$0x0];
	s2 =	stileid.u32  }
0x41: {  	s1 =	rddreg [dreg:$0x1];
	p0 =	sne.s32 s2, $0x0  }
0x42: {  	s3 =	rddreg [dreg:$0x2];
	[bflag:$0x3] =	sbarrier.arrive $0xFFFF;
	s2 =	simm.s32 @!p0 $0x1C02  }
0x43: {  	[timem:s3], [sflag:s2] =	dma.local @!p0 [hbm:s0], s1  }
0x44: {  	s0 =	simm.s32 @!p0 $0x2  }
0x45: {  	_ =	swait.ge @!p0 [sflag:s0], s1  }
0x46: {  	s1 =	ssub.s32 @!p0 $0x0, s1;
	[sflag:s0] =	ssyncset.done @!p0 $0x0  }
0x47: {  	[sflag:s0] =	ssyncadd.s32 @!p0 s1  }
0x48: {  	[bflag:$0x3] =	sbarrier.arrive $0xFFFF  }
0x49: {  	_ =	shalt  }

// kernel: kernel.16.cloned.1.call-start
scs
__scs_entry_jumppad:
0x0: {  	(pc) =	sbr.rel $0x88, $3  }
0x1: {  	(tag) =	ssettag $0x0;
	lr =	simm.s32 $0x1  }
0x2: {  	[smem:$0x3F8D] =	sst lr;
	_ =	strace $0xD0000000  }
0x3: {  	_ = 	snop  }
0x4: {  	_ = 	snop  }
0x5: {  	_ = 	snop  }
0x6: {  	_ = 	snop  }
0x7: {  	_ = 	snop  }
__scs_overlays_trampoline_lowered:
0x8: {  	[smem:$0x3F9C] =	sst s0  }
0x9: {  	[smem:$0x3F9D] =	sst s1  }
0xa: {  	[smem:$0x3F9E] =	sst s2  }
0xb: {  	[smem:$0x3F9F] =	sst s3  }
0xc: {  	[smem:$0x3FA0] =	sst s4  }
0xd: {  	[smem:$0x3FA1] =	sst s5  }
0xe: {  	[smem:$0x3FA2] =	sst s6  }
0xf: {  	[smem:$0x3FA3] =	sst s7  }
0x10: {  	[smem:$0x3FA4] =	sst s8  }
0x11: {  	[smem:$0x3FA5] =	sst s9;
	s0 =	simm.s32 @!p0 $0x0  }
0x12: {  	s1 =	sld [smem:$0x3F8B];
	s0 =	simm.s32 @p0 $0x1  }
0x13: {  	[smem:$0x3FA6] =	sst s0;
	s0 =	simm.s32 @!p1 $0x0  }
0x14: {  	s2 =	sld [smem:$0x3F8A];
	s0 =	simm.s32 @p1 $0x1  }
0x15: {  	[smem:$0x3FA7] =	sst s0;
	s0 =	simm.s32 @!p2 $0x0  }
0x16: {  	s3 =	sld [smem:$0x3FDB];
	s0 =	simm.s32 @p2 $0x1  }
0x17: {  	s4 =	simm.s32 $0x1BF5;
	[smem:$0x3FA9] =	sst s0  }
0x18: {  	s0 =	sld [smem:$0x3F8C];
	_ =	swait.ge [sflag:s4], $0x0  }
0x19: {  	s7 =	sld [smem:$0x3F8D]  }
0x1a: {  	s8 =	sadd.s32 $0xFFFFE003, lr  }
0x1b: {  	s9 =	sadd.s32 $0xFFFFFEF7, lr;
	s5 =	simm.s32 $0xFFFFFFFF;
	p2 =	slt.u32 s8, $0xFFFFF086  }
0x1c: {  	p1 =	slt.u32 s9, $0xF7A;
	s5 =	simm.s32 @!p2 $0x0  }
0x1d: {  	s5 =	simm.s32 @p1 $0x1;
	p0 =	seq.s32 s7, s2  }
0x1e: {  	s7 =	smul.u32 @!p0 $0xF7A, s2;
	p2 =	seq.s32 @!p0 s5, $0x0  }
0x1f: {  	s9 =	smul.u32 $0xF7A, s1;
	s8 =	simm.s32 @!p0 $0x1BF5;
	p2 =	por !p2, p0  }
0x20: {  	[sflag:s8] =	ssyncset.s32 @!p0 $0xFFFFF086;
	s6 =	sadd.s32 @!p0 s3, s7;
	s7 =	simm.s32 @!p0 $0x108  }
0x21: {  	s3 =	sadd.s32 s3, s9;
	s6 =	sadd.s32 @!p0 $0x88, s6;
	s7 =	simm.s32 @p2 $0x1082  }
0x22: {  	[simem:s7], [sflag:s8] =	dma.local @!p0 [hbm:s6], $0xF7A  }
0x23: {  	s9 =	sor.u32 $0xD0000000, s2;
	s6 =	simm.s32 $0x108;
	_ =	swait.ge @!p0 [sflag:s8], $0x0  }
0x24: {  	s3 =	sadd.s32 $0x88, s3;
	s6 =	simm.s32 @!p1 $0x1082;
	[sflag:s4] =	ssyncset.s32 $0xFFFFF086  }
0x25: {  	[simem:s6], [sflag:s4] =	dma.local [hbm:s3], $0xF7A  }
0x26: {  	[smem:$0x3F8D] =	sst s1;
	(tag) =	ssettag s2;
	_ =	strace s9  }
0x27: {  	s1 =	sld [smem:$0x3F9D]  }
0x28: {  	s2 =	sld [smem:$0x3F9E]  }
0x29: {  	s4 =	sld [smem:$0x3FA0]  }
0x2a: {  	p0 =	seq.s32 s5, $0x0;
	s5 =	sld [smem:$0x3FA1]  }
0x2b: {  	s6 =	sld [smem:$0x3FA2]  }
0x2c: {  	s7 =	sld [smem:$0x3FA3]  }
0x2d: {  	s3 =	simm.s32 $0x108;
	s8 =	sld [smem:$0x3FA4]  }
0x2e: {  	s3 =	simm.s32 @!p0 $0x1082;
	s9 =	sld [smem:$0x3FA5]  }
0x2f: {  	lr =	sadd.s32 s0, s3;
	s0 =	sld [smem:$0x3F9C]  }
0x30: {  	s3 =	sld [smem:$0x3F9F]  }
0x31: {  	[smem:$0x3FA8] =	sst s10  }
0x32: {  	s10 =	sld [smem:$0x3FA6];
	_ =	sdelay $0x3  }
0x33: {  	p0 =	seq.s32 s10, $0x1;
	s10 =	sld [smem:$0x3FA8];
	_ =	sdelay $0x3  }
0x34: {  	[smem:$0x3FA8] =	sst s10  }
0x35: {  	s10 =	sld [smem:$0x3FA7];
	_ =	sdelay $0x3  }
0x36: {  	p1 =	seq.s32 s10, $0x1;
	s10 =	sld [smem:$0x3FA8];
	_ =	sdelay $0x3  }
0x37: {  	[smem:$0x3FA8] =	sst s10  }
0x38: {  	s10 =	sld [smem:$0x3FA9]  }
0x39: {  	_ = 	snop;
	(pc) =	sbr.ind lr, $3  }
0x3a: {  	_ = 	snop  }
0x3b: {  	_ = 	snop  }
0x3c: {  	p2 =	seq.s32 s10, $0x1;
	s10 =	sld [smem:$0x3FA8]  }
0x3d: {  	_ =	shalt  }
0x3e: {  	_ =	shalt  }
0x3f: {  	_ =	shalt  }
0x40: {  	_ =	shalt  }
0x41: {  	_ =	shalt  }
0x42: {  	_ =	shalt  }
0x43: {  	_ =	shalt  }
0x44: {  	_ =	shalt  }
0x45: {  	_ =	shalt  }
0x46: {  	_ =	shalt  }
0x47: {  	_ =	shalt  }
0x48: {  	_ =	shalt  }
0x49: {  	_ =	shalt  }
0x4a: {  	_ =	shalt  }
0x4b: {  	_ =	shalt  }
0x4c: {  	_ =	shalt  }
0x4d: {  	_ =	shalt  }
0x4e: {  	_ =	shalt  }
0x4f: {  	_ =	shalt  }
0x50: {  	_ =	shalt  }
0x51: {  	_ =	shalt  }
0x52: {  	_ =	shalt  }
0x53: {  	_ =	shalt  }
0x54: {  	_ =	shalt  }
0x55: {  	_ =	shalt  }
0x56: {  	_ =	shalt  }
0x57: {  	_ =	shalt  }
0x58: {  	_ =	shalt  }
0x59: {  	_ =	shalt  }
0x5a: {  	_ =	shalt  }
0x5b: {  	_ =	shalt  }
0x5c: {  	_ =	shalt  }
0x5d: {  	_ =	shalt  }
0x5e: {  	_ =	shalt  }
0x5f: {  	_ =	shalt  }
0x60: {  	_ =	shalt  }
0x61: {  	_ =	shalt  }
0x62: {  	_ =	shalt  }
0x63: {  	_ =	shalt  }
0x64: {  	_ =	shalt  }
0x65: {  	_ =	shalt  }
0x66: {  	_ =	shalt  }
0x67: {  	_ =	shalt  }
0x68: {  	_ =	shalt  }
0x69: {  	_ =	shalt  }
0x6a: {  	_ =	shalt  }
0x6b: {  	_ =	shalt  }
0x6c: {  	_ =	shalt  }
0x6d: {  	_ =	shalt  }
0x6e: {  	_ =	shalt  }
0x6f: {  	_ =	shalt  }
0x70: {  	_ =	shalt  }
0x71: {  	_ =	shalt  }
0x72: {  	_ =	shalt  }
0x73: {  	_ =	shalt  }
0x74: {  	_ =	shalt  }
0x75: {  	_ =	shalt  }
0x76: {  	_ =	shalt  }
0x77: {  	_ =	shalt  }
0x78: {  	_ =	shalt  }
0x79: {  	_ =	shalt  }
0x7a: {  	_ =	shalt  }
0x7b: {  	_ =	shalt  }
0x7c: {  	_ =	shalt  }
0x7d: {  	_ =	shalt  }
0x7e: {  	_ =	shalt  }
0x7f: {  	_ =	shalt  }
0x80: {  	_ =	shalt  }
0x81: {  	_ =	shalt  }
0x82: {  	_ =	shalt  }
0x83: {  	_ =	shalt  }
0x84: {  	_ =	shalt  }
0x85: {  	_ =	shalt  }
0x86: {  	_ =	shalt  }
0x87: {  	_ =	shalt  }
.Lfunc_end0:
.L_simem_size_0:
called_computation.2_lowered:
.L_overlay_start_0:
0x88: {  	s2 =	sld [smem:$0x3FD9]  }
0x89: {  	s3 =	sld [smem:$0x3FFE];
	_ =	sdelay $0x1  }
0x8a: {  	s1 =	srdreg.scid  }
0x8b: {  	s0 =	sand.u32 $0x1, s1  }
0x8c: {  	s16 =	sshll.u32 s0, $0xA;
	s2 =	sadd.s32 s3, s2  }
0x8d: {  	s2 =	sadd.s32 s2, s16  }
0x8e: {  	[smem:$0x3FB4] =	sst s2  }
0x8f: {  	_ = 	snop  }
0x90: {  	(tm) =	ssettm $0x1  }
0x91: {  	s17 =	sld [smem:$0x3FFB];
	_ =	sdelay $0x3  }
0x92: {  	_ =	strace s17  }
0x93: {  	s2 =	sld [smem:$0x3FFC];
	_ =	sdelay $0x3  }
0x94: {  	_ =	strace s2  }
0x95: {  	s2 =	sld [smem:$0x3FFD];
	_ =	sdelay $0x3  }
0x96: {  	_ =	strace s2  }
0x97: {  	_ =	strace $0x8FFFFFFF  }
0x98: {  	s18 =	sld [smem:$0x3FDB];
	_ =	sdelay $0x1  }
0x99: {  	s19 =	simm.s32 $_scs_section_size  }
0x9a: {  	s4 =	simm.s32 $_size__tile_overlayer_lowered;
	s5 =	simm.s32 $_tile_overlayer_lowered  }
0x9b: {  	s22 =	simm.s32 $0x1BFF;
	s21 =	sshll.u32 s5, $0x1;
	s2 =	sadd.s32 s19, s18  }
0x9c: {  	s6 =	simm.s32 $0x0;
	s20 =	sshll.u32 s4, $0x1;
	s4 =	sadd.s32 s21, s2  }
0x9d: {  	[timem:s6], [sflag:s22] =	dma.local [hbm:s4], s20  }
0x9e: {  	_ =	swait.ge [sflag:s22], s20  }
0x9f: {  	s3 =	ssub.s32 $0x0, s20;
	[sflag:s22] =	ssyncset.done $0x0  }
0xa0: {  	[sflag:s22] =	ssyncadd.s32 s3;
	_ =	sdelay $0x1  }
0xa1: {  	s23 =	simm.s32 $0x1B8B  }
0xa2: {  	_ =	swait.ge [sflag:s23], $0x1  }
0xa3: {  	[sflag:s23] =	ssyncset.done $0x0  }
0xa4: {  	s25 =	simm.s32 $0x1B8E;
	s24 =	sld [smem:$0x3FFE];
	[sflag:s23] =	ssyncadd.s32 $0xFFFFFFFF  }
0xa5: {  	s26 =	simm.s32 $execute0_lowered;
	[smem:$0x3FD2] =	sst s25  }
0xa6: {  	s4 =	sshll.u32 s26, $0x1;
	_ =	strace $0x8000004C;
	[dreg:$0x1] =	wrdreg $0xFFFFFFFF  }
0xa7: {  	s28 =	simm.s32 $_size_execute0_lowered;
	s2 =	sadd.s32 s2, s4;
	[dreg:$0x0] =	wrdreg $0x0  }
0xa8: {  	s4 =	sshll.u32 s28, $0x1;
	[dreg:$0x2] =	wrdreg s2  }
0xa9: {  	[dreg:$0x3] =	wrdreg s4  }
0xaa: {  	[dreg:$0x4] =	wrdreg $0xC0  }
0xab: {  	_ =	task [dreg:s6], $0x5FFFF  }
0xac: {  	[dreg:$0x1] =	wrdreg $0xFFFFFFFF  }
0xad: {  	[dreg:$0x0] =	wrdreg $0x60  }
0xae: {  	[dreg:$0x2] =	wrdreg s24  }
0xaf: {  	[dreg:$0x3] =	wrdreg $0x90000  }
0xb0: {  	[dreg:$0x4] =	wrdreg $0x9  }
0xb1: {  	_ =	task.clear_ibuf [dreg:s6], $0x5FFFF;
	_ =	strace $0x9000004C  }
0xb2: {  	s29 =	simm.s32 $0x9;
	_ =	strace $0x8000004E  }
0xb3: {  	_ =	swait.ge [sflag:s29], $0x1  }
0xb4: {  	[sflag:s29] =	ssyncadd.s32 $0xFFFFFFFF  }
0xb5: {  	_ =	strace $0x9000004E  }
0xb6: {  	_ =	sfence  }
0xb7: {  	s30 =	sld [smem:$0x0];
	_ =	sdelay $0x2  }
0xb8: {  	s31 =	sshll.u32 s1, $0xD;
	s1 =	sshrl.u32 s1, $0x2  }
0xb9: {  	s3 =	sand.u32 $0x4000, s31;
	s1 =	sadd.s32 s1, s30  }
0xba: {  	s0 =	sor.u32 s3, s0;
	s1 =	sshll.u32 s1, $0x11  }
0xbb: {  	s0 =	sor.u32 s1, s0  }
0xbc: {  	s0 =	sadd.s32 $0x8F2B, s0  }
0xbd: {  	[sflag:s0] =	ssyncadd.remote.s32 $0x1  }
0xbe: {  	_ =	sfence.sel $0xFFFF  }
0xbf: {  	[dreg:$0x0] =	wrdreg $0xFFFFFFFF;
	(pc) =	sbr.abs _section_cstart, $3  }
0xc0: {  	[dreg:$0x1] =	wrdreg $0xFFFFFFFF  }
0xc1: {  	_ =	task.clear_ibuf [dreg:s6], $0x2FFFF;
	_ =	strace $0x9FFFFFFF  }
0xc2: {  	(tm) =	ssettm $0x7FFFFFFF  }
0xc3: {  	_ =	shalt  }
tec
execute0_lowered:
.L_overlay_start_1:
0x0: {  	(tag) =	ssettag $0x1  }
0x1: {  	s1 =	srdreg.scid  }
0x2: {  	s0 =	stileid.u32;
	s6 =	rddreg [dreg:$0x0]  }
0x3: {  	s2 =	rddreg [dreg:$0x1];
	s3 =	simm.s32 $0x0;
	s14 =	simm.s32 $0x80  }
0x4: {  	s15 =	simm.s32 $0x5000;
	s16 =	simm.s32 $0x1;
	s17 =	simm.s32 $0x0  }
0x5: {  	s5 =	sand.u32 $0x1, s1;
	s29 =	sshll.u32 s0, $0x1;
	s9 =	smul.u32 $0x14000, s0  }
0x6: {  	[smem:$0x7FF] =	sst s3;
	s4 =	sadd.s32 $0x1AA00, s6;
	s11 =	smul.u32 $0x50000, s0  }
0x7: {  	s12 =	sshll.u32 s0, $0x6;
	s1 =	sor.u32 s5, s29;
	s8 =	smul.u32 $0x140000, s5  }
0x8: {  	s30 =	ssub.s32 $0x2, s5;
	s5 =	sadd.s32 $0x18200, s6;
	s12 =	sor.u32 $0x1C02, s12  }
0x9: {  	s7 =	smul.u32 $0x500, s1;
	s1 =	rddreg [dreg:$0x2];
	_ =	strace $0x8000004D  }
0xa: {  	s10 =	sshrl.u32 s30, $0x1;
	s31 =	sshrl.u32 s11, $0x2;
	s11 =	simm.s32 $0x2800  }
0xb: {  	s8 =	sadd.s32 s9, s8;
	s9 =	ssub.s32 s30, s10;
	s13 =	sadd.s32 s31, s2  }
0xc: {  	s10 =	simm.s32 $0x2;
	s7 =	sadd.s32 s7, s6;
	s8 =	sshrl.u32 s8, $0x3  }
0xd: {  	s9 =	smax.u32 s9, $0x1;
	s13 =	sshrl.u32 s13, $0x3;
	s8 =	sadd.s32 s8, s6  }
0xe: {  	s6 =	sadd.s32 $0xE200, s7;
	s7 =	sadd.s32 $0x4200, s7;
	s8 =	sadd.s32 $0xC4C00, s8  }
.LBB2_1:
0xf: {  	[tilespmem:s3], [sflag:$0x2] =	stream.linear.gather [hbm4b:s6+s3], $0x2780, $0x38;
	[tilespmem:$0x1D000] =	vst v63  }
0x10: {  	_ =	swait.ge [sflag:s10], $0x2780  }
0x11: {  	[sflag:s10] =	ssyncset.done $0x0  }
0x12: {  	[sflag:s10] =	ssyncadd.s32 $0xFFFFD880  }
0x13: {  	[tilespmem:s11], [sflag:$0x2] =	stream.linear.gather [hbm4b:s7+s3], $0x2780, $0x38;
	[tilespmem:$0x1D000] =	vst v63  }
0x14: {  	_ =	swait.ge [sflag:s10], $0x2780  }
0x15: {  	[sflag:s10] =	ssyncset.done $0x0  }
0x16: {  	[sflag:s10] =	ssyncadd.s32 $0xFFFFD880  }
0x17: {  	[spmem:s13], [sflag:s12] =	dma.local [hbm:s5], $0x2800  }
0x18: {  	_ =	swait.ge [sflag:s10], $0x2800  }
0x19: {  	[sflag:s10] =	ssyncset.done $0x0  }
0x1a: {  	[sflag:s10] =	ssyncadd.s32 $0xFFFFD800  }
0x1b: {  	s18 =	simm.s32 $0x0;
	[bflag:$0x0] =	sbarrier.arrive $0xFFFF  }
0x1c: {  	[tilespmem:s15], [sflag:$0x1] =	stream.indirect.gather [hbm4b:s4+s14], $0x80, s18, s14, $0xb8;
	[tilespmem:$0x1D000] =	vst v63  }
0x1d: {  	_ =	swait.ge [sflag:s16], $0x4000  }
0x1e: {  	[sflag:s16] =	ssyncset.done $0x0  }
0x1f: {  	s31 =	simm.s32 $0x2800;
	[sflag:s16] =	ssyncadd.s32 $0xFFFFC000  }
0x20: {  	[spmem:s2] =	stream.indirect.scatter.add.f32 [tilespmem:s15], [sflag:$0x2], $0x80, s31, s14, $0xb8;
	[tilespmem:$0x1D000] =	vst v63  }
0x21: {  	_ =	swait.ge [sflag:s10], $0x4000  }
0x22: {  	s19 =	simm.s32 $0x400;
	s18 =	simm.s32 $0x200;
	[sflag:s10] =	ssyncset.done $0x0  }
.LBB2_2:
0x23: {  	s20 =	sshra.s32 s18, $0x2  }
0x24: {  	[sflag:s10] =	ssyncadd.s32 $0xFFFFC000;
	s18 =	smov.u32 s19;
	s21 =	sadd.s32 $0x200, s19  }
0x25: {  	[tilespmem:s15], [sflag:$0x1] =	stream.indirect.gather [hbm4b:s4+s14], $0x80, s20, s14, $0xb8;
	[tilespmem:$0x1D000] =	vst v63  }
0x26: {  	p0 =	sne.s32 s19, $0x9C00;
	_ =	swait.ge [sflag:s16], $0x4000  }
.Ltmp0:
0x27: {  	[sflag:s16] =	ssyncset.done $0x0;
	(pc) =	sbr.rel @p0 .LBB2_2-.Ltmp0, $4  }
0x28: {  	s19 =	sadd.s32 $0x2800, s20;
	[sflag:s16] =	ssyncadd.s32 $0xFFFFC000  }
0x29: {  	[spmem:s2] =	stream.indirect.scatter.add.f32 [tilespmem:s15], [sflag:$0x2], $0x80, s19, s14, $0xb8;
	[tilespmem:$0x1D000] =	vst v63  }
0x2a: {  	_ =	swait.ge [sflag:s10], $0x4000  }
0x2b: {  	s19 =	smov.u32 s21;
	[sflag:s10] =	ssyncset.done $0x0  }
0x2c: {  	s18 =	sshra.s32 s18, $0x2;
	[sflag:s10] =	ssyncadd.s32 $0xFFFFC000  }
0x2d: {  	[tilespmem:s15], [sflag:$0x1] =	stream.indirect.gather [hbm4b:s4+s14], $0x80, s18, s14, $0xb8;
	[tilespmem:$0x1D000] =	vst v63  }
0x2e: {  	_ =	swait.ge [sflag:s16], $0x4000  }
0x2f: {  	[sflag:s16] =	ssyncset.done $0x0  }
0x30: {  	s18 =	sadd.s32 $0x2800, s18;
	[sflag:s16] =	ssyncadd.s32 $0xFFFFC000  }
0x31: {  	[spmem:s2] =	stream.indirect.scatter.add.f32 [tilespmem:s15], [sflag:$0x2], $0x80, s18, s14, $0xb8;
	[tilespmem:$0x1D000] =	vst v63  }
0x32: {  	_ =	swait.ge [sflag:s10], $0x4000  }
0x33: {  	s17 =	sadd.s32 $0x1, s17;
	[sflag:s10] =	ssyncset.done $0x0  }
0x34: {  	p0 =	sne.s32 s17, s9;
	[sflag:s10] =	ssyncadd.s32 $0xFFFFC000  }
.Ltmp1:
0x35: {  	[bflag:$0x0] =	sbarrier.arrive $0xFFFF;
	(pc) =	sbr.rel @p0 .LBB2_1-.Ltmp1, $4  }
0x36: {  	[hbm:s8], [sflag:s12] =	dma.local [spmem:s13], $0x2800  }
0x37: {  	_ =	swait.ge [sflag:s10], $0x2800  }
0x38: {  	[sflag:s10] =	ssyncset.done $0x0  }
0x39: {  	[sflag:s10] =	ssyncadd.s32 $0xFFFFD800  }
0x3a: {  	_ =	sfence.sel $0x180000  }
0x3b: {  	[bflag:$0x0] =	sbarrier.arrive $0xFFFF  }
0x3c: {  	p0 =	sne.s32 s0, $0x0;
	_ =	strace $0x9000004D  }
0x3d: {  	s0 =	sadd.s32 @!p0 $0x100000, s1;
	[bflag:$0x2] =	sbarrier.arrive $0xFFFF  }
0x3e: {  	[sflag:s0] =	ssyncadd.tile.s32 @!p0 $0x1;
	_ =	shalt  }
.Lfunc_end2:
_tile_overlayer_lowered:
.L_overlay_start_2:
0x3f: {  	(tag) =	ssettag $0x2  }
0x40: {  	s0 =	rddreg [dreg:$0x0];
	s2 =	stileid.u32  }
0x41: {  	s1 =	rddreg [dreg:$0x1];
	p0 =	sne.s32 s2, $0x0  }
0x42: {  	s3 =	rddreg [dreg:$0x2];
	[bflag:$0x3] =	sbarrier.arrive $0xFFFF;
	s2 =	simm.s32 @!p0 $0x1C02  }
0x43: {  	[timem:s3], [sflag:s2] =	dma.local @!p0 [hbm:s0], s1  }
0x44: {  	s0 =	simm.s32 @!p0 $0x2  }
0x45: {  	_ =	swait.ge @!p0 [sflag:s0], s1  }
0x46: {  	s1 =	ssub.s32 @!p0 $0x0, s1;
	[sflag:s0] =	ssyncset.done @!p0 $0x0  }
0x47: {  	[sflag:s0] =	ssyncadd.s32 @!p0 s1  }
0x48: {  	[bflag:$0x3] =	sbarrier.arrive $0xFFFF  }
0x49: {  	_ =	shalt  }

// kernel: kernel.19.cloned.1.call-start
scs
__scs_entry_jumppad:
0x0: {  	(pc) =	sbr.rel $0x88, $3  }
0x1: {  	(tag) =	ssettag $0x0;
	lr =	simm.s32 $0x1  }
0x2: {  	[smem:$0x3F8D] =	sst lr;
	_ =	strace $0xD0000000  }
0x3: {  	_ = 	snop  }
0x4: {  	_ = 	snop  }
0x5: {  	_ = 	snop  }
0x6: {  	_ = 	snop  }
0x7: {  	_ = 	snop  }
__scs_overlays_trampoline_lowered:
0x8: {  	[smem:$0x3F9C] =	sst s0  }
0x9: {  	[smem:$0x3F9D] =	sst s1  }
0xa: {  	[smem:$0x3F9E] =	sst s2  }
0xb: {  	[smem:$0x3F9F] =	sst s3  }
0xc: {  	[smem:$0x3FA0] =	sst s4  }
0xd: {  	[smem:$0x3FA1] =	sst s5  }
0xe: {  	[smem:$0x3FA2] =	sst s6  }
0xf: {  	[smem:$0x3FA3] =	sst s7  }
0x10: {  	[smem:$0x3FA4] =	sst s8  }
0x11: {  	[smem:$0x3FA5] =	sst s9;
	s0 =	simm.s32 @!p0 $0x0  }
0x12: {  	s1 =	sld [smem:$0x3F8B];
	s0 =	simm.s32 @p0 $0x1  }
0x13: {  	[smem:$0x3FA6] =	sst s0;
	s0 =	simm.s32 @!p1 $0x0  }
0x14: {  	s2 =	sld [smem:$0x3F8A];
	s0 =	simm.s32 @p1 $0x1  }
0x15: {  	[smem:$0x3FA7] =	sst s0;
	s0 =	simm.s32 @!p2 $0x0  }
0x16: {  	s3 =	sld [smem:$0x3FDB];
	s0 =	simm.s32 @p2 $0x1  }
0x17: {  	s4 =	simm.s32 $0x1BF5;
	[smem:$0x3FA9] =	sst s0  }
0x18: {  	s0 =	sld [smem:$0x3F8C];
	_ =	swait.ge [sflag:s4], $0x0  }
0x19: {  	s7 =	sld [smem:$0x3F8D]  }
0x1a: {  	s8 =	sadd.s32 $0xFFFFE003, lr  }
0x1b: {  	s9 =	sadd.s32 $0xFFFFFEF7, lr;
	s5 =	simm.s32 $0xFFFFFFFF;
	p2 =	slt.u32 s8, $0xFFFFF086  }
0x1c: {  	p1 =	slt.u32 s9, $0xF7A;
	s5 =	simm.s32 @!p2 $0x0  }
0x1d: {  	s5 =	simm.s32 @p1 $0x1;
	p0 =	seq.s32 s7, s2  }
0x1e: {  	s7 =	smul.u32 @!p0 $0xF7A, s2;
	p2 =	seq.s32 @!p0 s5, $0x0  }
0x1f: {  	s9 =	smul.u32 $0xF7A, s1;
	s8 =	simm.s32 @!p0 $0x1BF5;
	p2 =	por !p2, p0  }
0x20: {  	[sflag:s8] =	ssyncset.s32 @!p0 $0xFFFFF086;
	s6 =	sadd.s32 @!p0 s3, s7;
	s7 =	simm.s32 @!p0 $0x108  }
0x21: {  	s3 =	sadd.s32 s3, s9;
	s6 =	sadd.s32 @!p0 $0x88, s6;
	s7 =	simm.s32 @p2 $0x1082  }
0x22: {  	[simem:s7], [sflag:s8] =	dma.local @!p0 [hbm:s6], $0xF7A  }
0x23: {  	s9 =	sor.u32 $0xD0000000, s2;
	s6 =	simm.s32 $0x108;
	_ =	swait.ge @!p0 [sflag:s8], $0x0  }
0x24: {  	s3 =	sadd.s32 $0x88, s3;
	s6 =	simm.s32 @!p1 $0x1082;
	[sflag:s4] =	ssyncset.s32 $0xFFFFF086  }
0x25: {  	[simem:s6], [sflag:s4] =	dma.local [hbm:s3], $0xF7A  }
0x26: {  	[smem:$0x3F8D] =	sst s1;
	(tag) =	ssettag s2;
	_ =	strace s9  }
0x27: {  	s1 =	sld [smem:$0x3F9D]  }
0x28: {  	s2 =	sld [smem:$0x3F9E]  }
0x29: {  	s4 =	sld [smem:$0x3FA0]  }
0x2a: {  	p0 =	seq.s32 s5, $0x0;
	s5 =	sld [smem:$0x3FA1]  }
0x2b: {  	s6 =	sld [smem:$0x3FA2]  }
0x2c: {  	s7 =	sld [smem:$0x3FA3]  }
0x2d: {  	s3 =	simm.s32 $0x108;
	s8 =	sld [smem:$0x3FA4]  }
0x2e: {  	s3 =	simm.s32 @!p0 $0x1082;
	s9 =	sld [smem:$0x3FA5]  }
0x2f: {  	lr =	sadd.s32 s0, s3;
	s0 =	sld [smem:$0x3F9C]  }
0x30: {  	s3 =	sld [smem:$0x3F9F]  }
0x31: {  	[smem:$0x3FA8] =	sst s10  }
0x32: {  	s10 =	sld [smem:$0x3FA6];
	_ =	sdelay $0x3  }
0x33: {  	p0 =	seq.s32 s10, $0x1;
	s10 =	sld [smem:$0x3FA8];
	_ =	sdelay $0x3  }
0x34: {  	[smem:$0x3FA8] =	sst s10  }
0x35: {  	s10 =	sld [smem:$0x3FA7];
	_ =	sdelay $0x3  }
0x36: {  	p1 =	seq.s32 s10, $0x1;
	s10 =	sld [smem:$0x3FA8];
	_ =	sdelay $0x3  }
0x37: {  	[smem:$0x3FA8] =	sst s10  }
0x38: {  	s10 =	sld [smem:$0x3FA9]  }
0x39: {  	_ = 	snop;
	(pc) =	sbr.ind lr, $3  }
0x3a: {  	_ = 	snop  }
0x3b: {  	_ = 	snop  }
0x3c: {  	p2 =	seq.s32 s10, $0x1;
	s10 =	sld [smem:$0x3FA8]  }
0x3d: {  	_ =	shalt  }
0x3e: {  	_ =	shalt  }
0x3f: {  	_ =	shalt  }
0x40: {  	_ =	shalt  }
0x41: {  	_ =	shalt  }
0x42: {  	_ =	shalt  }
0x43: {  	_ =	shalt  }
0x44: {  	_ =	shalt  }
0x45: {  	_ =	shalt  }
0x46: {  	_ =	shalt  }
0x47: {  	_ =	shalt  }
0x48: {  	_ =	shalt  }
0x49: {  	_ =	shalt  }
0x4a: {  	_ =	shalt  }
0x4b: {  	_ =	shalt  }
0x4c: {  	_ =	shalt  }
0x4d: {  	_ =	shalt  }
0x4e: {  	_ =	shalt  }
0x4f: {  	_ =	shalt  }
0x50: {  	_ =	shalt  }
0x51: {  	_ =	shalt  }
0x52: {  	_ =	shalt  }
0x53: {  	_ =	shalt  }
0x54: {  	_ =	shalt  }
0x55: {  	_ =	shalt  }
0x56: {  	_ =	shalt  }
0x57: {  	_ =	shalt  }
0x58: {  	_ =	shalt  }
0x59: {  	_ =	shalt  }
0x5a: {  	_ =	shalt  }
0x5b: {  	_ =	shalt  }
0x5c: {  	_ =	shalt  }
0x5d: {  	_ =	shalt  }
0x5e: {  	_ =	shalt  }
0x5f: {  	_ =	shalt  }
0x60: {  	_ =	shalt  }
0x61: {  	_ =	shalt  }
0x62: {  	_ =	shalt  }
0x63: {  	_ =	shalt  }
0x64: {  	_ =	shalt  }
0x65: {  	_ =	shalt  }
0x66: {  	_ =	shalt  }
0x67: {  	_ =	shalt  }
0x68: {  	_ =	shalt  }
0x69: {  	_ =	shalt  }
0x6a: {  	_ =	shalt  }
0x6b: {  	_ =	shalt  }
0x6c: {  	_ =	shalt  }
0x6d: {  	_ =	shalt  }
0x6e: {  	_ =	shalt  }
0x6f: {  	_ =	shalt  }
0x70: {  	_ =	shalt  }
0x71: {  	_ =	shalt  }
0x72: {  	_ =	shalt  }
0x73: {  	_ =	shalt  }
0x74: {  	_ =	shalt  }
0x75: {  	_ =	shalt  }
0x76: {  	_ =	shalt  }
0x77: {  	_ =	shalt  }
0x78: {  	_ =	shalt  }
0x79: {  	_ =	shalt  }
0x7a: {  	_ =	shalt  }
0x7b: {  	_ =	shalt  }
0x7c: {  	_ =	shalt  }
0x7d: {  	_ =	shalt  }
0x7e: {  	_ =	shalt  }
0x7f: {  	_ =	shalt  }
0x80: {  	_ =	shalt  }
0x81: {  	_ =	shalt  }
0x82: {  	_ =	shalt  }
0x83: {  	_ =	shalt  }
0x84: {  	_ =	shalt  }
0x85: {  	_ =	shalt  }
0x86: {  	_ =	shalt  }
0x87: {  	_ =	shalt  }
.Lfunc_end0:
.L_simem_size_0:
called_computation.3_lowered:
.L_overlay_start_0:
0x88: {  	s2 =	sld [smem:$0x3FD9]  }
0x89: {  	s3 =	sld [smem:$0x3FFE];
	_ =	sdelay $0x1  }
0x8a: {  	s1 =	srdreg.scid  }
0x8b: {  	s0 =	sand.u32 $0x1, s1  }
0x8c: {  	s16 =	sshll.u32 s0, $0xA;
	s2 =	sadd.s32 s3, s2  }
0x8d: {  	s2 =	sadd.s32 s2, s16  }
0x8e: {  	[smem:$0x3FB4] =	sst s2  }
0x8f: {  	_ = 	snop  }
0x90: {  	(tm) =	ssettm $0x1  }
0x91: {  	s17 =	sld [smem:$0x3FFB];
	_ =	sdelay $0x3  }
0x92: {  	_ =	strace s17  }
0x93: {  	s2 =	sld [smem:$0x3FFC];
	_ =	sdelay $0x3  }
0x94: {  	_ =	strace s2  }
0x95: {  	s2 =	sld [smem:$0x3FFD];
	_ =	sdelay $0x3  }
0x96: {  	_ =	strace s2  }
0x97: {  	_ =	strace $0x8FFFFFFF  }
0x98: {  	s18 =	sld [smem:$0x3FDB];
	_ =	sdelay $0x1  }
0x99: {  	s19 =	simm.s32 $_scs_section_size  }
0x9a: {  	s4 =	simm.s32 $_size__tile_overlayer_lowered;
	s5 =	simm.s32 $_tile_overlayer_lowered  }
0x9b: {  	s22 =	simm.s32 $0x1BFF;
	s21 =	sshll.u32 s5, $0x1;
	s2 =	sadd.s32 s19, s18  }
0x9c: {  	s6 =	simm.s32 $0x0;
	s20 =	sshll.u32 s4, $0x1;
	s4 =	sadd.s32 s21, s2  }
0x9d: {  	[timem:s6], [sflag:s22] =	dma.local [hbm:s4], s20  }
0x9e: {  	_ =	swait.ge [sflag:s22], s20  }
0x9f: {  	s3 =	ssub.s32 $0x0, s20;
	[sflag:s22] =	ssyncset.done $0x0  }
0xa0: {  	[sflag:s22] =	ssyncadd.s32 s3;
	_ =	sdelay $0x1  }
0xa1: {  	s23 =	simm.s32 $0x1B8B  }
0xa2: {  	_ =	swait.ge [sflag:s23], $0x1  }
0xa3: {  	[sflag:s23] =	ssyncset.done $0x0  }
0xa4: {  	s25 =	simm.s32 $0x1B8E;
	s24 =	sld [smem:$0x3FFE];
	[sflag:s23] =	ssyncadd.s32 $0xFFFFFFFF  }
0xa5: {  	s26 =	simm.s32 $execute0_lowered;
	[smem:$0x3FD2] =	sst s25  }
0xa6: {  	s4 =	sshll.u32 s26, $0x1;
	_ =	strace $0x8000004F;
	[dreg:$0x1] =	wrdreg $0xFFFFFFFF  }
0xa7: {  	s28 =	simm.s32 $_size_execute0_lowered;
	s2 =	sadd.s32 s2, s4;
	[dreg:$0x0] =	wrdreg $0x0  }
0xa8: {  	s4 =	sshll.u32 s28, $0x1;
	[dreg:$0x2] =	wrdreg s2  }
0xa9: {  	[dreg:$0x3] =	wrdreg s4  }
0xaa: {  	[dreg:$0x4] =	wrdreg $0xC0  }
0xab: {  	_ =	task [dreg:s6], $0x5FFFF  }
0xac: {  	[dreg:$0x1] =	wrdreg $0xFFFFFFFF  }
0xad: {  	[dreg:$0x0] =	wrdreg $0x60  }
0xae: {  	[dreg:$0x2] =	wrdreg s24  }
0xaf: {  	[dreg:$0x3] =	wrdreg $0x90000  }
0xb0: {  	[dreg:$0x4] =	wrdreg $0x9  }
0xb1: {  	_ =	task.clear_ibuf [dreg:s6], $0x5FFFF;
	_ =	strace $0x9000004F  }
0xb2: {  	s29 =	simm.s32 $0x9;
	_ =	strace $0x80000051  }
0xb3: {  	_ =	swait.ge [sflag:s29], $0x1  }
0xb4: {  	[sflag:s29] =	ssyncadd.s32 $0xFFFFFFFF  }
0xb5: {  	_ =	strace $0x90000051  }
0xb6: {  	_ =	sfence  }
0xb7: {  	s30 =	sld [smem:$0x0];
	_ =	sdelay $0x2  }
0xb8: {  	s31 =	sshll.u32 s1, $0xD;
	s1 =	sshrl.u32 s1, $0x2  }
0xb9: {  	s3 =	sand.u32 $0x4000, s31;
	s1 =	sadd.s32 s1, s30  }
0xba: {  	s0 =	sor.u32 s3, s0;
	s1 =	sshll.u32 s1, $0x11  }
0xbb: {  	s0 =	sor.u32 s1, s0  }
0xbc: {  	s0 =	sadd.s32 $0x8F2B, s0  }
0xbd: {  	[sflag:s0] =	ssyncadd.remote.s32 $0x1  }
0xbe: {  	_ =	sfence.sel $0xFFFF  }
0xbf: {  	[dreg:$0x0] =	wrdreg $0xFFFFFFFF;
	(pc) =	sbr.abs _section_cstart, $3  }
0xc0: {  	[dreg:$0x1] =	wrdreg $0xFFFFFFFF  }
0xc1: {  	_ =	task.clear_ibuf [dreg:s6], $0x2FFFF;
	_ =	strace $0x9FFFFFFF  }
0xc2: {  	(tm) =	ssettm $0x7FFFFFFF  }
0xc3: {  	_ =	shalt  }
tec
execute0_lowered:
.L_overlay_start_1:
0x0: {  	(tag) =	ssettag $0x1  }
0x1: {  	s1 =	srdreg.scid  }
0x2: {  	s0 =	stileid.u32;
	s6 =	rddreg [dreg:$0x0]  }
0x3: {  	s2 =	rddreg [dreg:$0x1];
	s3 =	simm.s32 $0x0;
	s14 =	simm.s32 $0x80  }
0x4: {  	s15 =	simm.s32 $0x5000;
	s16 =	simm.s32 $0x1;
	s17 =	simm.s32 $0x0  }
0x5: {  	s5 =	sand.u32 $0x1, s1;
	s29 =	sshll.u32 s0, $0x1;
	s9 =	smul.u32 $0x14000, s0  }
0x6: {  	[smem:$0x7FF] =	sst s3;
	s4 =	sadd.s32 $0x1AA00, s6;
	s11 =	smul.u32 $0x50000, s0  }
0x7: {  	s12 =	sshll.u32 s0, $0x6;
	s1 =	sor.u32 s5, s29;
	s8 =	smul.u32 $0x140000, s5  }
0x8: {  	s30 =	ssub.s32 $0x2, s5;
	s5 =	sadd.s32 $0x18200, s6;
	s12 =	sor.u32 $0x1C02, s12  }
0x9: {  	s7 =	smul.u32 $0x500, s1;
	s1 =	rddreg [dreg:$0x2];
	_ =	strace $0x80000050  }
0xa: {  	s10 =	sshrl.u32 s30, $0x1;
	s31 =	sshrl.u32 s11, $0x2;
	s11 =	simm.s32 $0x2800  }
0xb: {  	s8 =	sadd.s32 s9, s8;
	s9 =	ssub.s32 s30, s10;
	s13 =	sadd.s32 s31, s2  }
0xc: {  	s10 =	simm.s32 $0x2;
	s7 =	sadd.s32 s7, s6;
	s8 =	sshrl.u32 s8, $0x3  }
0xd: {  	s9 =	smax.u32 s9, $0x1;
	s13 =	sshrl.u32 s13, $0x3;
	s8 =	sadd.s32 s8, s6  }
0xe: {  	s6 =	sadd.s32 $0xE200, s7;
	s7 =	sadd.s32 $0x4200, s7;
	s8 =	sadd.s32 $0xC4C00, s8  }
.LBB2_1:
0xf: {  	[tilespmem:s3], [sflag:$0x2] =	stream.linear.gather [hbm4b:s6+s3], $0x2780, $0x38;
	[tilespmem:$0x1D000] =	vst v63  }
0x10: {  	_ =	swait.ge [sflag:s10], $0x2780  }
0x11: {  	[sflag:s10] =	ssyncset.done $0x0  }
0x12: {  	[sflag:s10] =	ssyncadd.s32 $0xFFFFD880  }
0x13: {  	[tilespmem:s11], [sflag:$0x2] =	stream.linear.gather [hbm4b:s7+s3], $0x2780, $0x38;
	[tilespmem:$0x1D000] =	vst v63  }
0x14: {  	_ =	swait.ge [sflag:s10], $0x2780  }
0x15: {  	[sflag:s10] =	ssyncset.done $0x0  }
0x16: {  	[sflag:s10] =	ssyncadd.s32 $0xFFFFD880  }
0x17: {  	[spmem:s13], [sflag:s12] =	dma.local [hbm:s5], $0x2800  }
0x18: {  	_ =	swait.ge [sflag:s10], $0x2800  }
0x19: {  	[sflag:s10] =	ssyncset.done $0x0  }
0x1a: {  	[sflag:s10] =	ssyncadd.s32 $0xFFFFD800  }
0x1b: {  	s18 =	simm.s32 $0x0;
	[bflag:$0x0] =	sbarrier.arrive $0xFFFF  }
0x1c: {  	[tilespmem:s15], [sflag:$0x1] =	stream.indirect.gather [hbm4b:s4+s14], $0x80, s18, s14, $0xb8;
	[tilespmem:$0x1D000] =	vst v63  }
0x1d: {  	_ =	swait.ge [sflag:s16], $0x4000  }
0x1e: {  	[sflag:s16] =	ssyncset.done $0x0  }
0x1f: {  	s31 =	simm.s32 $0x2800;
	[sflag:s16] =	ssyncadd.s32 $0xFFFFC000  }
0x20: {  	[spmem:s2] =	stream.indirect.scatter.add.f32 [tilespmem:s15], [sflag:$0x2], $0x80, s31, s14, $0xb8;
	[tilespmem:$0x1D000] =	vst v63  }
0x21: {  	_ =	swait.ge [sflag:s10], $0x4000  }
0x22: {  	s19 =	simm.s32 $0x400;
	s18 =	simm.s32 $0x200;
	[sflag:s10] =	ssyncset.done $0x0  }
.LBB2_2:
0x23: {  	s20 =	sshra.s32 s18, $0x2  }
0x24: {  	[sflag:s10] =	ssyncadd.s32 $0xFFFFC000;
	s18 =	smov.u32 s19;
	s21 =	sadd.s32 $0x200, s19  }
0x25: {  	[tilespmem:s15], [sflag:$0x1] =	stream.indirect.gather [hbm4b:s4+s14], $0x80, s20, s14, $0xb8;
	[tilespmem:$0x1D000] =	vst v63  }
0x26: {  	p0 =	sne.s32 s19, $0x9C00;
	_ =	swait.ge [sflag:s16], $0x4000  }
.Ltmp0:
0x27: {  	[sflag:s16] =	ssyncset.done $0x0;
	(pc) =	sbr.rel @p0 .LBB2_2-.Ltmp0, $4  }
0x28: {  	s19 =	sadd.s32 $0x2800, s20;
	[sflag:s16] =	ssyncadd.s32 $0xFFFFC000  }
0x29: {  	[spmem:s2] =	stream.indirect.scatter.add.f32 [tilespmem:s15], [sflag:$0x2], $0x80, s19, s14, $0xb8;
	[tilespmem:$0x1D000] =	vst v63  }
0x2a: {  	_ =	swait.ge [sflag:s10], $0x4000  }
0x2b: {  	s19 =	smov.u32 s21;
	[sflag:s10] =	ssyncset.done $0x0  }
0x2c: {  	s18 =	sshra.s32 s18, $0x2;
	[sflag:s10] =	ssyncadd.s32 $0xFFFFC000  }
0x2d: {  	[tilespmem:s15], [sflag:$0x1] =	stream.indirect.gather [hbm4b:s4+s14], $0x80, s18, s14, $0xb8;
	[tilespmem:$0x1D000] =	vst v63  }
0x2e: {  	_ =	swait.ge [sflag:s16], $0x4000  }
0x2f: {  	[sflag:s16] =	ssyncset.done $0x0  }
0x30: {  	s18 =	sadd.s32 $0x2800, s18;
	[sflag:s16] =	ssyncadd.s32 $0xFFFFC000  }
0x31: {  	[spmem:s2] =	stream.indirect.scatter.add.f32 [tilespmem:s15], [sflag:$0x2], $0x80, s18, s14, $0xb8;
	[tilespmem:$0x1D000] =	vst v63  }
0x32: {  	_ =	swait.ge [sflag:s10], $0x4000  }
0x33: {  	s17 =	sadd.s32 $0x1, s17;
	[sflag:s10] =	ssyncset.done $0x0  }
0x34: {  	p0 =	sne.s32 s17, s9;
	[sflag:s10] =	ssyncadd.s32 $0xFFFFC000  }
.Ltmp1:
0x35: {  	[bflag:$0x0] =	sbarrier.arrive $0xFFFF;
	(pc) =	sbr.rel @p0 .LBB2_1-.Ltmp1, $4  }
0x36: {  	[hbm:s8], [sflag:s12] =	dma.local [spmem:s13], $0x2800  }
0x37: {  	_ =	swait.ge [sflag:s10], $0x2800  }
0x38: {  	[sflag:s10] =	ssyncset.done $0x0  }
0x39: {  	[sflag:s10] =	ssyncadd.s32 $0xFFFFD800  }
0x3a: {  	_ =	sfence.sel $0x180000  }
0x3b: {  	[bflag:$0x0] =	sbarrier.arrive $0xFFFF  }
0x3c: {  	p0 =	sne.s32 s0, $0x0;
	_ =	strace $0x90000050  }
0x3d: {  	s0 =	sadd.s32 @!p0 $0x100000, s1;
	[bflag:$0x2] =	sbarrier.arrive $0xFFFF  }
0x3e: {  	[sflag:s0] =	ssyncadd.tile.s32 @!p0 $0x1;
	_ =	shalt  }
.Lfunc_end2:
_tile_overlayer_lowered:
.L_overlay_start_2:
0x3f: {  	(tag) =	ssettag $0x2  }
0x40: {  	s0 =	rddreg [dreg:$0x0];
	s2 =	stileid.u32  }
0x41: {  	s1 =	rddreg [dreg:$0x1];
	p0 =	sne.s32 s2, $0x0  }
0x42: {  	s3 =	rddreg [dreg:$0x2];
	[bflag:$0x3] =	sbarrier.arrive $0xFFFF;
	s2 =	simm.s32 @!p0 $0x1C02  }
0x43: {  	[timem:s3], [sflag:s2] =	dma.local @!p0 [hbm:s0], s1  }
0x44: {  	s0 =	simm.s32 @!p0 $0x2  }
0x45: {  	_ =	swait.ge @!p0 [sflag:s0], s1  }
0x46: {  	s1 =	ssub.s32 @!p0 $0x0, s1;
	[sflag:s0] =	ssyncset.done @!p0 $0x0  }
0x47: {  	[sflag:s0] =	ssyncadd.s32 @!p0 s1  }
0x48: {  	[bflag:$0x3] =	sbarrier.arrive $0xFFFF  }
0x49: {  	_ =	shalt  }

</sc_bundles>
